<compile_context>
chip_gen: v7x
topology: tpu7x:2x2x1
jax: 0.10.2.dev20260603
libtpu: 0.0.44.dev20260713+nightly
codegen_flags: <defaults>
</compile_context>

<pallas_src>
import functools

import jax
import jax.numpy as jnp
from jax import lax
from jax.experimental import pallas as pl
from jax.experimental.pallas import tpu as pltpu
from jax.experimental.pallas import tpu_sc as plsc

_K = 8
_EPS = 1e-8
_NEG = -1e30


def _topk_body(tok_rows_ref, tok_all_ref, out_ref):
    rn = tok_rows_ref[0].astype(jnp.bfloat16)
    an = tok_all_ref[0].astype(jnp.bfloat16)
    sim = lax.dot_general(rn, an, (((1,), (1,)), ((), ())),
                          preferred_element_type=jnp.float32)
    RT, N = sim.shape
    r = pl.program_id(1)
    col = lax.broadcasted_iota(jnp.int32, (RT, N), 1)
    row_glob = lax.broadcasted_iota(jnp.int32, (RT, N), 0) + r * RT
    sim = jnp.where(col == row_glob, _NEG, sim)
    idxs = []
    for _ in range(_K):
        idx = jnp.argmax(sim, axis=1).astype(jnp.int32)[:, None]
        idxs.append(idx)
        sim = jnp.where(col == idx, _NEG, sim)
    out_ref[0] = jnp.concatenate(idxs, axis=1)


def _topk_tc(tokens, rt=512, interpret=False):
    B, N, D = tokens.shape
    grid = (B, N // rt)
    return pl.pallas_call(
        _topk_body,
        grid=grid,
        in_specs=[
            pl.BlockSpec((1, rt, D), lambda b, r: (b, r, 0)),
            pl.BlockSpec((1, N, D), lambda b, r: (b, 0, 0)),
        ],
        out_specs=pl.BlockSpec((1, rt, _K), lambda b, r: (b, r, 0)),
        out_shape=jax.ShapeDtypeStruct((B, N, _K), jnp.int32),
        interpret=interpret,
    )(tokens, tokens)


def _adj_sc(topk, B, N):
    info = plsc.get_sparse_core_info()
    NC, NS, L = info.num_cores, info.num_subcores, info.num_lanes
    NW = NC * NS
    rows_w = (B * N) // NW
    RIT = 16
    n_it = rows_w // RIT
    w_per_b = N // rows_w
    mesh = plsc.VectorSubcoreMesh(core_axis_name="c", subcore_axis_name="s")

    @functools.partial(
        pl.kernel,
        out_type=jax.ShapeDtypeStruct((B * N * N,), jnp.float32),
        mesh=mesh,
        scratch_types=[
            pltpu.VMEM((N * _K,), jnp.int32),
            pltpu.VMEM((RIT * N,), jnp.float32),
        ],
        compiler_params=pltpu.CompilerParams(needs_layout_passes=False),
    )
    def adj_kernel(topk_hbm, out_hbm, tbl, rowbuf):
        wid = lax.axis_index("s") * NC + lax.axis_index("c")
        b = wid // w_per_b
        row0_b = (wid % w_per_b) * rows_w

        pltpu.sync_copy(topk_hbm.at[b], tbl)

        zero = jnp.zeros((L,), jnp.float32)

        def _zb(i, carry):
            rowbuf[pl.ds(i * L, L)] = zero
            return carry

        lax.fori_loop(0, (RIT * N) // L, _zb, 0)

        lane = lax.iota(jnp.int32, 16)
        second = (lane >= _K).astype(jnp.int32)
        ones = jnp.ones((16,), jnp.float32)

        def _chunk(it, carry):
            row_b = row0_b + it * RIT
            for v in range(RIT // 2):
                r0 = row_b + 2 * v
                nbrs = tbl[pl.ds(r0 * _K, 2 * _K)]
                rowvec = jnp.full((16,), r0, jnp.int32) + second
                acc = lane < 0
                for l in range(_K):
                    g = plsc.load_gather(tbl, [nbrs * _K + l])
                    acc = jnp.logical_or(acc, g == rowvec)
                scat = (2 * v + second) * N + nbrs
                plsc.store_scatter(rowbuf, [scat], ones, mask=acc)
            out0 = (b * N + row_b) * N
            pltpu.sync_copy(rowbuf, out_hbm.at[pl.ds(out0, RIT * N)])
            for v in range(RIT // 2):
                r0 = row_b + 2 * v
                nbrs = tbl[pl.ds(r0 * _K, 2 * _K)]
                scat = (2 * v + second) * N + nbrs
                plsc.store_scatter(rowbuf, [scat], zero)
            return carry

        lax.fori_loop(0, n_it, _chunk, 0)

    return adj_kernel(topk)


def kernel(tokens):
    B, N, D = tokens.shape
    tokens = tokens / (jnp.linalg.norm(tokens, axis=-1, keepdims=True) + _EPS)
    topk = _topk_tc(tokens)
    adj = _adj_sc(topk.reshape(B, N * _K), B, N)
    return adj.reshape(B, N, N)

# --- scband reference (transcript-rebuilt; emitter-appended) ---
"""Pipeline reference for scband-ghtgraph-builder-11553462026731 (READ-ONLY COPY).

The authoritative reference and input builder live on the scoring server;
editing this copy changes nothing except your own understanding.
"""

import jax, jax.numpy as jnp
import numpy as np

K = 8
EPS = 1e-08

def setup_inputs(seed: int = 0) -> dict:
    key = jax.random.key(seed)
    tokens = jax.random.normal(key, (4, 2048, 128), dtype=jnp.float32)
    return {"tokens": tokens}

def reference(tokens):
    B, N, D = tokens.shape
    tokens_norm = tokens / (jnp.linalg.norm(tokens, axis=-1, keepdims=True) + EPS)
    sim = jnp.matmul(tokens_norm, jnp.swapaxes(tokens_norm, 1, 2))
    diag_mask = jnp.eye(N, dtype=bool)
    sim = jnp.where(diag_mask[None, :, :], -jnp.inf, sim)
    k = min(K, N - 1)
    _, topk_idx = jax.lax.top_k(sim, k)
    adj = jnp.zeros((B, N, N), dtype=jnp.float32)
    b_idx = jnp.arange(B)[:, None, None]
    r_idx = jnp.arange(N)[None, :, None]
    adj = adj.at[b_idx, r_idx, topk_idx].set(1.0)
    # mutual kNN: AND of adj and its transpose (0/1 floats -> elementwise product)
    adj = adj * jnp.swapaxes(adj, 1, 2)
    return adj

if __name__ == "__main__":
    import jax
    _d = setup_inputs()
    print(jax.jit(kernel)(*tuple(_d.values())))

</pallas_src>

<mosaic_0001>
#map = affine_map<(d0, d1) -> (0, 0)>
#map1 = affine_map<(d0, d1) -> (0)>
module attributes {stable_mosaic.version = 14 : i64} {
  func.func @adj_kernel(%arg0: i32, %arg1: i32, %arg2: memref<4x16384xi32, #tpu.memory_space<hbm>>, %arg3: memref<16777216xf32, #tpu.memory_space<hbm>>, %arg4: memref<16384xi32, #tpu.memory_space<vmem>>, %arg5: memref<32768xf32, #tpu.memory_space<vmem>>) attributes {dimension_semantics = [#tpu.dimension_semantics<core_parallel>, #tpu.dimension_semantics<subcore_parallel>], iteration_bounds = array<i64: 2, 16>, scalar_prefetch = 0 : i64, scratch_operands = 2 : i64, tpu.core_type = #tpu.core_type<sc_vector_subcore>, window_params = [{transform_indices = #map}, {transform_indices = #map1}]} {
    %mul3A = arith.constant 2 : i32
    %mul3A_0 = arith.muli %arg1, %mul3A : i32
    %add3A = arith.addi %mul3A_0, %arg0 : i32
    %jit3A = arith.constant 8 : i32
    %div3A = arith.divsi %add3A, %jit3A : i32
    %sign3A = arith.constant 0 : i32
    %sign3A_1 = arith.cmpi sgt, %add3A, %sign3A : i32
    %sign3A_2 = arith.extui %sign3A_1 : i1 to i32
    %sign3A_3 = arith.constant 0 : i32
    %sign3A_4 = arith.cmpi slt, %add3A, %sign3A_3 : i32
    %sign3A_5 = arith.extui %sign3A_4 : i1 to i32
    %sign3A_6 = arith.subi %sign3A_2, %sign3A_5 : i32
    %sign3A_7 = arith.constant 0 : i32
    %sign3A_8 = arith.cmpi sgt, %jit3A, %sign3A_7 : i32
    %sign3A_9 = arith.extui %sign3A_8 : i1 to i32
    %sign3A_10 = arith.constant 0 : i32
    %sign3A_11 = arith.cmpi slt, %jit3A, %sign3A_10 : i32
    %sign3A_12 = arith.extui %sign3A_11 : i1 to i32
    %sign3A_13 = arith.subi %sign3A_9, %sign3A_12 : i32
    %ne3A = arith.cmpi ne, %sign3A_6, %sign3A_13 : i32
    %rem3A = arith.remsi %add3A, %jit3A : i32
    %ne3A_14 = arith.constant 0 : i32
    %ne3A_15 = arith.cmpi ne, %rem3A, %ne3A_14 : i32
    %and3A = arith.andi %ne3A, %ne3A_15 : i1
    %sub3A = arith.constant 1 : i32
    %sub3A_16 = arith.subi %div3A, %sub3A : i32
    %select_n3A = arith.select %and3A, %sub3A_16, %div3A : i32
    %jit3A_17 = arith.constant 8 : i32
    %eq3A = arith.constant 0 : i32
    %eq3A_18 = arith.cmpi eq, %jit3A_17, %eq3A : i32
    %jit3A_19 = arith.constant 1 : i32
    %select_n3A_20 = arith.select %eq3A_18, %jit3A_19, %jit3A_17 : i32
    %rem3A_21 = arith.remsi %add3A, %select_n3A_20 : i32
    %ne3A_22 = arith.constant 0 : i32
    %ne3A_23 = arith.cmpi ne, %rem3A_21, %ne3A_22 : i32
    %lt3A = arith.constant 0 : i32
    %lt3A_24 = arith.cmpi slt, %rem3A_21, %lt3A : i32
    %lt3A_25 = arith.constant 0 : i32
    %lt3A_26 = arith.cmpi slt, %select_n3A_20, %lt3A_25 : i32
    %ne3A_27 = arith.xori %lt3A_24, %lt3A_26 : i1
    %and3A_28 = arith.andi %ne3A_27, %ne3A_23 : i1
    %add3A_29 = arith.addi %rem3A_21, %select_n3A_20 : i32
    %select_n3A_30 = arith.select %and3A_28, %add3A_29, %rem3A_21 : i32
    %mul3A_31 = arith.constant 256 : i32
    %mul3A_32 = arith.muli %select_n3A_30, %mul3A_31 : i32
    "tpu.region"() ({
      %run_scoped3A = tpu.sem_alloc : memref<!tpu.dma_semaphore, #tpu.memory_space<semaphore_mem>>
      %dma_start3A = arith.constant 0 : i32
      %dma_start3A_49 = tpu.memref_slice %arg2[%select_n3A, %dma_start3A] : memref<4x16384xi32, #tpu.memory_space<hbm>> -> memref<1x16384xi32, #tpu.memory_space<hbm>>
      %dma_start3A_50 = tpu.memref_squeeze %dma_start3A_49 : memref<1x16384xi32, #tpu.memory_space<hbm>> -> memref<16384xi32, #tpu.memory_space<hbm>>
      %dma_start3A_51 = arith.constant 0 : i32
      %dma_start3A_52 = tpu.memref_slice %arg2[%select_n3A, %dma_start3A_51] : memref<4x16384xi32, #tpu.memory_space<hbm>> -> memref<1x16384xi32, #tpu.memory_space<hbm>>
      %dma_start3A_53 = tpu.memref_squeeze %dma_start3A_52 : memref<1x16384xi32, #tpu.memory_space<hbm>> -> memref<16384xi32, #tpu.memory_space<hbm>>
      tpu.enqueue_dma source(%dma_start3A_53 : memref<16384xi32, #tpu.memory_space<hbm>>) target(%arg4 : memref<16384xi32, #tpu.memory_space<vmem>>) target_semaphore(%run_scoped3A : memref<!tpu.dma_semaphore, #tpu.memory_space<semaphore_mem>>)
      %dma_wait3A = arith.constant 0 : i32
      %dma_wait3A_54 = tpu.memref_slice %arg2[%select_n3A, %dma_wait3A] : memref<4x16384xi32, #tpu.memory_space<hbm>> -> memref<1x16384xi32, #tpu.memory_space<hbm>>
      %dma_wait3A_55 = tpu.memref_squeeze %dma_wait3A_54 : memref<1x16384xi32, #tpu.memory_space<hbm>> -> memref<16384xi32, #tpu.memory_space<hbm>>
      %dma_wait3A_56 = arith.constant 0 : i32
      %dma_wait3A_57 = tpu.memref_slice %arg2[%select_n3A, %dma_wait3A_56] : memref<4x16384xi32, #tpu.memory_space<hbm>> -> memref<1x16384xi32, #tpu.memory_space<hbm>>
      %dma_wait3A_58 = tpu.memref_squeeze %dma_wait3A_57 : memref<1x16384xi32, #tpu.memory_space<hbm>> -> memref<16384xi32, #tpu.memory_space<hbm>>
      tpu.wait_dma2 semaphore(%run_scoped3A : memref<!tpu.dma_semaphore, #tpu.memory_space<semaphore_mem>>) src(%dma_wait3A_58 : memref<16384xi32, #tpu.memory_space<hbm>>) dst(%arg4 : memref<16384xi32, #tpu.memory_space<vmem>>)
      tpu.yield
    }) : () -> ()
    %broadcast_in_dim3A = arith.constant 0.000000e+00 : f32
    %broadcast_in_dim3A_33 = vector.broadcast %broadcast_in_dim3A : f32 to vector<16xf32>
    %scan3A = arith.constant 0 : i32
    %scan3A_34 = arith.constant 0 : i32
    %scan3A_35 = arith.constant 2048 : i32
    %scan3A_36 = arith.addi %scan3A_34, %scan3A_35 : i32
    %scan3A_37 = arith.constant 1 : i32
    scf.for %scan3A_49 = %scan3A_34 to %scan3A_36 step %scan3A_37  : i32 {
      %mul3A_50 = arith.constant 16 : i32
      %mul3A_51 = arith.muli %scan3A_49, %mul3A_50 : i32
      %swap3A = arith.index_cast %mul3A_51 : i32 to index
      %swap3A_52 = tpu.vector_load %arg5[%swap3A] {strides = array<i32>} : memref<32768xf32, #tpu.memory_space<vmem>>, vector<16xf32>,
      tpu.vector_store %arg5[%swap3A], %broadcast_in_dim3A_33 {strides = array<i32>} : memref<32768xf32, #tpu.memory_space<vmem>>, vector<16xf32>,
    }
    %scan3A_38 = arith.constant 2048 : i32
    %iota3A = tpu.iota {dimensions = array<i32: 0>} : vector<16xi32>
    %ge3A = arith.constant 8 : i32
    %ge3A_39 = vector.broadcast %ge3A : i32 to vector<16xi32>
    %ge3A_40 = arith.cmpi sge, %iota3A, %ge3A_39 : vector<16xi32>
    %convert_element_type3A = arith.extui %ge3A_40 : vector<16xi1> to vector<16xi32>
    %broadcast_in_dim3A_41 = arith.constant 1.000000e+00 : f32
    %broadcast_in_dim3A_42 = vector.broadcast %broadcast_in_dim3A_41 : f32 to vector<16xf32>
    %scan3A_43 = arith.constant 0 : i32
    %scan3A_44 = arith.constant 0 : i32
    %scan3A_45 = arith.constant 16 : i32
    %scan3A_46 = arith.addi %scan3A_44, %scan3A_45 : i32
    %scan3A_47 = arith.constant 1 : i32
    scf.for %scan3A_49 = %scan3A_44 to %scan3A_46 step %scan3A_47  : i32 {
      %mul3A_50 = arith.constant 16 : i32
      %mul3A_51 = arith.muli %scan3A_49, %mul3A_50 : i32
      %add3A_52 = arith.addi %mul3A_32, %mul3A_51 : i32
      %add3A_53 = arith.constant 0 : i32
      %add3A_54 = arith.addi %add3A_52, %add3A_53 : i32
      %mul3A_55 = arith.constant 8 : i32
      %mul3A_56 = arith.muli %add3A_54, %mul3A_55 : i32
      %get3A = arith.index_cast %mul3A_56 : i32 to index
      %get3A_57 = tpu.vector_load %arg4[%get3A] {strides = array<i32>} : memref<16384xi32, #tpu.memory_space<vmem>>, vector<16xi32>,
      %broadcast_in_dim3A_58 = vector.broadcast %add3A_54 : i32 to vector<16xi32>
      %add3A_59 = arith.addi %broadcast_in_dim3A_58, %convert_element_type3A : vector<16xi32>
      %lt3A_60 = arith.constant 0 : i32
      %lt3A_61 = vector.broadcast %lt3A_60 : i32 to vector<16xi32>
      %lt3A_62 = arith.cmpi slt, %iota3A, %lt3A_61 : vector<16xi32>
      %mul3A_63 = arith.constant 8 : i32
      %mul3A_64 = vector.broadcast %mul3A_63 : i32 to vector<16xi32>
      %mul3A_65 = arith.muli %get3A_57, %mul3A_64 : vector<16xi32>
      %add3A_66 = arith.constant 0 : i32
      %add3A_67 = vector.broadcast %add3A_66 : i32 to vector<16xi32>
      %add3A_68 = arith.addi %mul3A_65, %add3A_67 : vector<16xi32>
      %gather3A = tpu.vector_load_idx %arg4[%add3A_68] : memref<16384xi32, #tpu.memory_space<vmem>>[vector<16xi32>], vector<16xi32>,
      %eq3A_69 = arith.cmpi eq, %gather3A, %add3A_59 : vector<16xi32>
      %or3A = arith.ori %lt3A_62, %eq3A_69 : vector<16xi1>
      %mul3A_70 = arith.constant 8 : i32
      %mul3A_71 = vector.broadcast %mul3A_70 : i32 to vector<16xi32>
      %mul3A_72 = arith.muli %get3A_57, %mul3A_71 : vector<16xi32>
      %add3A_73 = arith.constant 1 : i32
      %add3A_74 = vector.broadcast %add3A_73 : i32 to vector<16xi32>
      %add3A_75 = arith.addi %mul3A_72, %add3A_74 : vector<16xi32>
      %gather3A_76 = tpu.vector_load_idx %arg4[%add3A_75] : memref<16384xi32, #tpu.memory_space<vmem>>[vector<16xi32>], vector<16xi32>,
      %eq3A_77 = arith.cmpi eq, %gather3A_76, %add3A_59 : vector<16xi32>
      %or3A_78 = arith.ori %or3A, %eq3A_77 : vector<16xi1>
      %mul3A_79 = arith.constant 8 : i32
      %mul3A_80 = vector.broadcast %mul3A_79 : i32 to vector<16xi32>
      %mul3A_81 = arith.muli %get3A_57, %mul3A_80 : vector<16xi32>
      %add3A_82 = arith.constant 2 : i32
      %add3A_83 = vector.broadcast %add3A_82 : i32 to vector<16xi32>
      %add3A_84 = arith.addi %mul3A_81, %add3A_83 : vector<16xi32>
      %gather3A_85 = tpu.vector_load_idx %arg4[%add3A_84] : memref<16384xi32, #tpu.memory_space<vmem>>[vector<16xi32>], vector<16xi32>,
      %eq3A_86 = arith.cmpi eq, %gather3A_85, %add3A_59 : vector<16xi32>
      %or3A_87 = arith.ori %or3A_78, %eq3A_86 : vector<16xi1>
      %mul3A_88 = arith.constant 8 : i32
      %mul3A_89 = vector.broadcast %mul3A_88 : i32 to vector<16xi32>
      %mul3A_90 = arith.muli %get3A_57, %mul3A_89 : vector<16xi32>
      %add3A_91 = arith.constant 3 : i32
      %add3A_92 = vector.broadcast %add3A_91 : i32 to vector<16xi32>
      %add3A_93 = arith.addi %mul3A_90, %add3A_92 : vector<16xi32>
      %gather3A_94 = tpu.vector_load_idx %arg4[%add3A_93] : memref<16384xi32, #tpu.memory_space<vmem>>[vector<16xi32>], vector<16xi32>,
      %eq3A_95 = arith.cmpi eq, %gather3A_94, %add3A_59 : vector<16xi32>
      %or3A_96 = arith.ori %or3A_87, %eq3A_95 : vector<16xi1>
      %mul3A_97 = arith.constant 8 : i32
      %mul3A_98 = vector.broadcast %mul3A_97 : i32 to vector<16xi32>
      %mul3A_99 = arith.muli %get3A_57, %mul3A_98 : vector<16xi32>
      %add3A_100 = arith.constant 4 : i32
      %add3A_101 = vector.broadcast %add3A_100 : i32 to vector<16xi32>
      %add3A_102 = arith.addi %mul3A_99, %add3A_101 : vector<16xi32>
      %gather3A_103 = tpu.vector_load_idx %arg4[%add3A_102] : memref<16384xi32, #tpu.memory_space<vmem>>[vector<16xi32>], vector<16xi32>,
      %eq3A_104 = arith.cmpi eq, %gather3A_103, %add3A_59 : vector<16xi32>
      %or3A_105 = arith.ori %or3A_96, %eq3A_104 : vector<16xi1>
      %mul3A_106 = arith.constant 8 : i32
      %mul3A_107 = vector.broadcast %mul3A_106 : i32 to vector<16xi32>
      %mul3A_108 = arith.muli %get3A_57, %mul3A_107 : vector<16xi32>
      %add3A_109 = arith.constant 5 : i32
      %add3A_110 = vector.broadcast %add3A_109 : i32 to vector<16xi32>
      %add3A_111 = arith.addi %mul3A_108, %add3A_110 : vector<16xi32>
      %gather3A_112 = tpu.vector_load_idx %arg4[%add3A_111] : memref<16384xi32, #tpu.memory_space<vmem>>[vector<16xi32>], vector<16xi32>,
      %eq3A_113 = arith.cmpi eq, %gather3A_112, %add3A_59 : vector<16xi32>
      %or3A_114 = arith.ori %or3A_105, %eq3A_113 : vector<16xi1>
      %mul3A_115 = arith.constant 8 : i32
      %mul3A_116 = vector.broadcast %mul3A_115 : i32 to vector<16xi32>
      %mul3A_117 = arith.muli %get3A_57, %mul3A_116 : vector<16xi32>
      %add3A_118 = arith.constant 6 : i32
      %add3A_119 = vector.broadcast %add3A_118 : i32 to vector<16xi32>
      %add3A_120 = arith.addi %mul3A_117, %add3A_119 : vector<16xi32>
      %gather3A_121 = tpu.vector_load_idx %arg4[%add3A_120] : memref<16384xi32, #tpu.memory_space<vmem>>[vector<16xi32>], vector<16xi32>,
      %eq3A_122 = arith.cmpi eq, %gather3A_121, %add3A_59 : vector<16xi32>
      %or3A_123 = arith.ori %or3A_114, %eq3A_122 : vector<16xi1>
      %mul3A_124 = arith.constant 8 : i32
      %mul3A_125 = vector.broadcast %mul3A_124 : i32 to vector<16xi32>
      %mul3A_126 = arith.muli %get3A_57, %mul3A_125 : vector<16xi32>
      %add3A_127 = arith.constant 7 : i32
      %add3A_128 = vector.broadcast %add3A_127 : i32 to vector<16xi32>
      %add3A_129 = arith.addi %mul3A_126, %add3A_128 : vector<16xi32>
      %gather3A_130 = tpu.vector_load_idx %arg4[%add3A_129] : memref<16384xi32, #tpu.memory_space<vmem>>[vector<16xi32>], vector<16xi32>,
      %eq3A_131 = arith.cmpi eq, %gather3A_130, %add3A_59 : vector<16xi32>
      %or3A_132 = arith.ori %or3A_123, %eq3A_131 : vector<16xi1>
      %add3A_133 = arith.constant 0 : i32
      %add3A_134 = vector.broadcast %add3A_133 : i32 to vector<16xi32>
      %add3A_135 = arith.addi %add3A_134, %convert_element_type3A : vector<16xi32>
      %mul3A_136 = arith.constant 2048 : i32
      %mul3A_137 = vector.broadcast %mul3A_136 : i32 to vector<16xi32>
      %mul3A_138 = arith.muli %add3A_135, %mul3A_137 : vector<16xi32>
      %add3A_139 = arith.addi %mul3A_138, %get3A_57 : vector<16xi32>
      tpu.vector_store_idx %arg5[%add3A_139], %broadcast_in_dim3A_42 masked %or3A_132 : memref<32768xf32, #tpu.memory_space<vmem>>[vector<16xi32>], vector<16xf32>, vector<16xi1>
      %add3A_140 = arith.constant 2 : i32
      %add3A_141 = arith.addi %add3A_52, %add3A_140 : i32
      %mul3A_142 = arith.constant 8 : i32
      %mul3A_143 = arith.muli %add3A_141, %mul3A_142 : i32
      %get3A_144 = arith.index_cast %mul3A_143 : i32 to index
      %get3A_145 = tpu.vector_load %arg4[%get3A_144] {strides = array<i32>} : memref<16384xi32, #tpu.memory_space<vmem>>, vector<16xi32>,
      %broadcast_in_dim3A_146 = vector.broadcast %add3A_141 : i32 to vector<16xi32>
      %add3A_147 = arith.addi %broadcast_in_dim3A_146, %convert_element_type3A : vector<16xi32>
      %lt3A_148 = arith.constant 0 : i32
      %lt3A_149 = vector.broadcast %lt3A_148 : i32 to vector<16xi32>
      %lt3A_150 = arith.cmpi slt, %iota3A, %lt3A_149 : vector<16xi32>
      %mul3A_151 = arith.constant 8 : i32
      %mul3A_152 = vector.broadcast %mul3A_151 : i32 to vector<16xi32>
      %mul3A_153 = arith.muli %get3A_145, %mul3A_152 : vector<16xi32>
      %add3A_154 = arith.constant 0 : i32
      %add3A_155 = vector.broadcast %add3A_154 : i32 to vector<16xi32>
      %add3A_156 = arith.addi %mul3A_153, %add3A_155 : vector<16xi32>
      %gather3A_157 = tpu.vector_load_idx %arg4[%add3A_156] : memref<16384xi32, #tpu.memory_space<vmem>>[vector<16xi32>], vector<16xi32>,
      %eq3A_158 = arith.cmpi eq, %gather3A_157, %add3A_147 : vector<16xi32>
      %or3A_159 = arith.ori %lt3A_150, %eq3A_158 : vector<16xi1>
      %mul3A_160 = arith.constant 8 : i32
      %mul3A_161 = vector.broadcast %mul3A_160 : i32 to vector<16xi32>
      %mul3A_162 = arith.muli %get3A_145, %mul3A_161 : vector<16xi32>
      %add3A_163 = arith.constant 1 : i32
      %add3A_164 = vector.broadcast %add3A_163 : i32 to vector<16xi32>
      %add3A_165 = arith.addi %mul3A_162, %add3A_164 : vector<16xi32>
      %gather3A_166 = tpu.vector_load_idx %arg4[%add3A_165] : memref<16384xi32, #tpu.memory_space<vmem>>[vector<16xi32>], vector<16xi32>,
      %eq3A_167 = arith.cmpi eq, %gather3A_166, %add3A_147 : vector<16xi32>
      %or3A_168 = arith.ori %or3A_159, %eq3A_167 : vector<16xi1>
      %mul3A_169 = arith.constant 8 : i32
      %mul3A_170 = vector.broadcast %mul3A_169 : i32 to vector<16xi32>
      %mul3A_171 = arith.muli %get3A_145, %mul3A_170 : vector<16xi32>
      %add3A_172 = arith.constant 2 : i32
      %add3A_173 = vector.broadcast %add3A_172 : i32 to vector<16xi32>
      %add3A_174 = arith.addi %mul3A_171, %add3A_173 : vector<16xi32>
      %gather3A_175 = tpu.vector_load_idx %arg4[%add3A_174] : memref<16384xi32, #tpu.memory_space<vmem>>[vector<16xi32>], vector<16xi32>,
      %eq3A_176 = arith.cmpi eq, %gather3A_175, %add3A_147 : vector<16xi32>
      %or3A_177 = arith.ori %or3A_168, %eq3A_176 : vector<16xi1>
      %mul3A_178 = arith.constant 8 : i32
      %mul3A_179 = vector.broadcast %mul3A_178 : i32 to vector<16xi32>
      %mul3A_180 = arith.muli %get3A_145, %mul3A_179 : vector<16xi32>
      %add3A_181 = arith.constant 3 : i32
      %add3A_182 = vector.broadcast %add3A_181 : i32 to vector<16xi32>
      %add3A_183 = arith.addi %mul3A_180, %add3A_182 : vector<16xi32>
      %gather3A_184 = tpu.vector_load_idx %arg4[%add3A_183] : memref<16384xi32, #tpu.memory_space<vmem>>[vector<16xi32>], vector<16xi32>,
      %eq3A_185 = arith.cmpi eq, %gather3A_184, %add3A_147 : vector<16xi32>
      %or3A_186 = arith.ori %or3A_177, %eq3A_185 : vector<16xi1>
      %mul3A_187 = arith.constant 8 : i32
      %mul3A_188 = vector.broadcast %mul3A_187 : i32 to vector<16xi32>
      %mul3A_189 = arith.muli %get3A_145, %mul3A_188 : vector<16xi32>
      %add3A_190 = arith.constant 4 : i32
      %add3A_191 = vector.broadcast %add3A_190 : i32 to vector<16xi32>
      %add3A_192 = arith.addi %mul3A_189, %add3A_191 : vector<16xi32>
      %gather3A_193 = tpu.vector_load_idx %arg4[%add3A_192] : memref<16384xi32, #tpu.memory_space<vmem>>[vector<16xi32>], vector<16xi32>,
      %eq3A_194 = arith.cmpi eq, %gather3A_193, %add3A_147 : vector<16xi32>
      %or3A_195 = arith.ori %or3A_186, %eq3A_194 : vector<16xi1>
      %mul3A_196 = arith.constant 8 : i32
      %mul3A_197 = vector.broadcast %mul3A_196 : i32 to vector<16xi32>
      %mul3A_198 = arith.muli %get3A_145, %mul3A_197 : vector<16xi32>
      %add3A_199 = arith.constant 5 : i32
      %add3A_200 = vector.broadcast %add3A_199 : i32 to vector<16xi32>
      %add3A_201 = arith.addi %mul3A_198, %add3A_200 : vector<16xi32>
      %gather3A_202 = tpu.vector_load_idx %arg4[%add3A_201] : memref<16384xi32, #tpu.memory_space<vmem>>[vector<16xi32>], vector<16xi32>,
      %eq3A_203 = arith.cmpi eq, %gather3A_202, %add3A_147 : vector<16xi32>
      %or3A_204 = arith.ori %or3A_195, %eq3A_203 : vector<16xi1>
      %mul3A_205 = arith.constant 8 : i32
      %mul3A_206 = vector.broadcast %mul3A_205 : i32 to vector<16xi32>
      %mul3A_207 = arith.muli %get3A_145, %mul3A_206 : vector<16xi32>
      %add3A_208 = arith.constant 6 : i32
      %add3A_209 = vector.broadcast %add3A_208 : i32 to vector<16xi32>
      %add3A_210 = arith.addi %mul3A_207, %add3A_209 : vector<16xi32>
      %gather3A_211 = tpu.vector_load_idx %arg4[%add3A_210] : memref<16384xi32, #tpu.memory_space<vmem>>[vector<16xi32>], vector<16xi32>,
      %eq3A_212 = arith.cmpi eq, %gather3A_211, %add3A_147 : vector<16xi32>
      %or3A_213 = arith.ori %or3A_204, %eq3A_212 : vector<16xi1>
      %mul3A_214 = arith.constant 8 : i32
      %mul3A_215 = vector.broadcast %mul3A_214 : i32 to vector<16xi32>
      %mul3A_216 = arith.muli %get3A_145, %mul3A_215 : vector<16xi32>
      %add3A_217 = arith.constant 7 : i32
      %add3A_218 = vector.broadcast %add3A_217 : i32 to vector<16xi32>
      %add3A_219 = arith.addi %mul3A_216, %add3A_218 : vector<16xi32>
      %gather3A_220 = tpu.vector_load_idx %arg4[%add3A_219] : memref<16384xi32, #tpu.memory_space<vmem>>[vector<16xi32>], vector<16xi32>,
      %eq3A_221 = arith.cmpi eq, %gather3A_220, %add3A_147 : vector<16xi32>
      %or3A_222 = arith.ori %or3A_213, %eq3A_221 : vector<16xi1>
      %add3A_223 = arith.constant 2 : i32
      %add3A_224 = vector.broadcast %add3A_223 : i32 to vector<16xi32>
      %add3A_225 = arith.addi %add3A_224, %convert_element_type3A : vector<16xi32>
      %mul3A_226 = arith.constant 2048 : i32
      %mul3A_227 = vector.broadcast %mul3A_226 : i32 to vector<16xi32>
      %mul3A_228 = arith.muli %add3A_225, %mul3A_227 : vector<16xi32>
      %add3A_229 = arith.addi %mul3A_228, %get3A_145 : vector<16xi32>
      tpu.vector_store_idx %arg5[%add3A_229], %broadcast_in_dim3A_42 masked %or3A_222 : memref<32768xf32, #tpu.memory_space<vmem>>[vector<16xi32>], vector<16xf32>, vector<16xi1>
      %add3A_230 = arith.constant 4 : i32
      %add3A_231 = arith.addi %add3A_52, %add3A_230 : i32
      %mul3A_232 = arith.constant 8 : i32
      %mul3A_233 = arith.muli %add3A_231, %mul3A_232 : i32
      %get3A_234 = arith.index_cast %mul3A_233 : i32 to index
      %get3A_235 = tpu.vector_load %arg4[%get3A_234] {strides = array<i32>} : memref<16384xi32, #tpu.memory_space<vmem>>, vector<16xi32>,
      %broadcast_in_dim3A_236 = vector.broadcast %add3A_231 : i32 to vector<16xi32>
      %add3A_237 = arith.addi %broadcast_in_dim3A_236, %convert_element_type3A : vector<16xi32>
      %lt3A_238 = arith.constant 0 : i32
      %lt3A_239 = vector.broadcast %lt3A_238 : i32 to vector<16xi32>
      %lt3A_240 = arith.cmpi slt, %iota3A, %lt3A_239 : vector<16xi32>
      %mul3A_241 = arith.constant 8 : i32
      %mul3A_242 = vector.broadcast %mul3A_241 : i32 to vector<16xi32>
      %mul3A_243 = arith.muli %get3A_235, %mul3A_242 : vector<16xi32>
      %add3A_244 = arith.constant 0 : i32
      %add3A_245 = vector.broadcast %add3A_244 : i32 to vector<16xi32>
      %add3A_246 = arith.addi %mul3A_243, %add3A_245 : vector<16xi32>
      %gather3A_247 = tpu.vector_load_idx %arg4[%add3A_246] : memref<16384xi32, #tpu.memory_space<vmem>>[vector<16xi32>], vector<16xi32>,
      %eq3A_248 = arith.cmpi eq, %gather3A_247, %add3A_237 : vector<16xi32>
      %or3A_249 = arith.ori %lt3A_240, %eq3A_248 : vector<16xi1>
      %mul3A_250 = arith.constant 8 : i32
      %mul3A_251 = vector.broadcast %mul3A_250 : i32 to vector<16xi32>
      %mul3A_252 = arith.muli %get3A_235, %mul3A_251 : vector<16xi32>
      %add3A_253 = arith.constant 1 : i32
      %add3A_254 = vector.broadcast %add3A_253 : i32 to vector<16xi32>
      %add3A_255 = arith.addi %mul3A_252, %add3A_254 : vector<16xi32>
      %gather3A_256 = tpu.vector_load_idx %arg4[%add3A_255] : memref<16384xi32, #tpu.memory_space<vmem>>[vector<16xi32>], vector<16xi32>,
      %eq3A_257 = arith.cmpi eq, %gather3A_256, %add3A_237 : vector<16xi32>
      %or3A_258 = arith.ori %or3A_249, %eq3A_257 : vector<16xi1>
      %mul3A_259 = arith.constant 8 : i32
      %mul3A_260 = vector.broadcast %mul3A_259 : i32 to vector<16xi32>
      %mul3A_261 = arith.muli %get3A_235, %mul3A_260 : vector<16xi32>
      %add3A_262 = arith.constant 2 : i32
      %add3A_263 = vector.broadcast %add3A_262 : i32 to vector<16xi32>
      %add3A_264 = arith.addi %mul3A_261, %add3A_263 : vector<16xi32>
      %gather3A_265 = tpu.vector_load_idx %arg4[%add3A_264] : memref<16384xi32, #tpu.memory_space<vmem>>[vector<16xi32>], vector<16xi32>,
      %eq3A_266 = arith.cmpi eq, %gather3A_265, %add3A_237 : vector<16xi32>
      %or3A_267 = arith.ori %or3A_258, %eq3A_266 : vector<16xi1>
      %mul3A_268 = arith.constant 8 : i32
      %mul3A_269 = vector.broadcast %mul3A_268 : i32 to vector<16xi32>
      %mul3A_270 = arith.muli %get3A_235, %mul3A_269 : vector<16xi32>
      %add3A_271 = arith.constant 3 : i32
      %add3A_272 = vector.broadcast %add3A_271 : i32 to vector<16xi32>
      %add3A_273 = arith.addi %mul3A_270, %add3A_272 : vector<16xi32>
      %gather3A_274 = tpu.vector_load_idx %arg4[%add3A_273] : memref<16384xi32, #tpu.memory_space<vmem>>[vector<16xi32>], vector<16xi32>,
      %eq3A_275 = arith.cmpi eq, %gather3A_274, %add3A_237 : vector<16xi32>
      %or3A_276 = arith.ori %or3A_267, %eq3A_275 : vector<16xi1>
      %mul3A_277 = arith.constant 8 : i32
      %mul3A_278 = vector.broadcast %mul3A_277 : i32 to vector<16xi32>
      %mul3A_279 = arith.muli %get3A_235, %mul3A_278 : vector<16xi32>
      %add3A_280 = arith.constant 4 : i32
      %add3A_281 = vector.broadcast %add3A_280 : i32 to vector<16xi32>
      %add3A_282 = arith.addi %mul3A_279, %add3A_281 : vector<16xi32>
      %gather3A_283 = tpu.vector_load_idx %arg4[%add3A_282] : memref<16384xi32, #tpu.memory_space<vmem>>[vector<16xi32>], vector<16xi32>,
      %eq3A_284 = arith.cmpi eq, %gather3A_283, %add3A_237 : vector<16xi32>
      %or3A_285 = arith.ori %or3A_276, %eq3A_284 : vector<16xi1>
      %mul3A_286 = arith.constant 8 : i32
      %mul3A_287 = vector.broadcast %mul3A_286 : i32 to vector<16xi32>
      %mul3A_288 = arith.muli %get3A_235, %mul3A_287 : vector<16xi32>
      %add3A_289 = arith.constant 5 : i32
      %add3A_290 = vector.broadcast %add3A_289 : i32 to vector<16xi32>
      %add3A_291 = arith.addi %mul3A_288, %add3A_290 : vector<16xi32>
      %gather3A_292 = tpu.vector_load_idx %arg4[%add3A_291] : memref<16384xi32, #tpu.memory_space<vmem>>[vector<16xi32>], vector<16xi32>,
      %eq3A_293 = arith.cmpi eq, %gather3A_292, %add3A_237 : vector<16xi32>
      %or3A_294 = arith.ori %or3A_285, %eq3A_293 : vector<16xi1>
      %mul3A_295 = arith.constant 8 : i32
      %mul3A_296 = vector.broadcast %mul3A_295 : i32 to vector<16xi32>
      %mul3A_297 = arith.muli %get3A_235, %mul3A_296 : vector<16xi32>
      %add3A_298 = arith.constant 6 : i32
      %add3A_299 = vector.broadcast %add3A_298 : i32 to vector<16xi32>
      %add3A_300 = arith.addi %mul3A_297, %add3A_299 : vector<16xi32>
      %gather3A_301 = tpu.vector_load_idx %arg4[%add3A_300] : memref<16384xi32, #tpu.memory_space<vmem>>[vector<16xi32>], vector<16xi32>,
      %eq3A_302 = arith.cmpi eq, %gather3A_301, %add3A_237 : vector<16xi32>
      %or3A_303 = arith.ori %or3A_294, %eq3A_302 : vector<16xi1>
      %mul3A_304 = arith.constant 8 : i32
      %mul3A_305 = vector.broadcast %mul3A_304 : i32 to vector<16xi32>
      %mul3A_306 = arith.muli %get3A_235, %mul3A_305 : vector<16xi32>
      %add3A_307 = arith.constant 7 : i32
      %add3A_308 = vector.broadcast %add3A_307 : i32 to vector<16xi32>
      %add3A_309 = arith.addi %mul3A_306, %add3A_308 : vector<16xi32>
      %gather3A_310 = tpu.vector_load_idx %arg4[%add3A_309] : memref<16384xi32, #tpu.memory_space<vmem>>[vector<16xi32>], vector<16xi32>,
      %eq3A_311 = arith.cmpi eq, %gather3A_310, %add3A_237 : vector<16xi32>
      %or3A_312 = arith.ori %or3A_303, %eq3A_311 : vector<16xi1>
      %add3A_313 = arith.constant 4 : i32
      %add3A_314 = vector.broadcast %add3A_313 : i32 to vector<16xi32>
      %add3A_315 = arith.addi %add3A_314, %convert_element_type3A : vector<16xi32>
      %mul3A_316 = arith.constant 2048 : i32
      %mul3A_317 = vector.broadcast %mul3A_316 : i32 to vector<16xi32>
      %mul3A_318 = arith.muli %add3A_315, %mul3A_317 : vector<16xi32>
      %add3A_319 = arith.addi %mul3A_318, %get3A_235 : vector<16xi32>
      tpu.vector_store_idx %arg5[%add3A_319], %broadcast_in_dim3A_42 masked %or3A_312 : memref<32768xf32, #tpu.memory_space<vmem>>[vector<16xi32>], vector<16xf32>, vector<16xi1>
      %add3A_320 = arith.constant 6 : i32
      %add3A_321 = arith.addi %add3A_52, %add3A_320 : i32
      %mul3A_322 = arith.constant 8 : i32
      %mul3A_323 = arith.muli %add3A_321, %mul3A_322 : i32
      %get3A_324 = arith.index_cast %mul3A_323 : i32 to index
      %get3A_325 = tpu.vector_load %arg4[%get3A_324] {strides = array<i32>} : memref<16384xi32, #tpu.memory_space<vmem>>, vector<16xi32>,
      %broadcast_in_dim3A_326 = vector.broadcast %add3A_321 : i32 to vector<16xi32>
      %add3A_327 = arith.addi %broadcast_in_dim3A_326, %convert_element_type3A : vector<16xi32>
      %lt3A_328 = arith.constant 0 : i32
      %lt3A_329 = vector.broadcast %lt3A_328 : i32 to vector<16xi32>
      %lt3A_330 = arith.cmpi slt, %iota3A, %lt3A_329 : vector<16xi32>
      %mul3A_331 = arith.constant 8 : i32
      %mul3A_332 = vector.broadcast %mul3A_331 : i32 to vector<16xi32>
      %mul3A_333 = arith.muli %get3A_325, %mul3A_332 : vector<16xi32>
      %add3A_334 = arith.constant 0 : i32
      %add3A_335 = vector.broadcast %add3A_334 : i32 to vector<16xi32>
      %add3A_336 = arith.addi %mul3A_333, %add3A_335 : vector<16xi32>
      %gather3A_337 = tpu.vector_load_idx %arg4[%add3A_336] : memref<16384xi32, #tpu.memory_space<vmem>>[vector<16xi32>], vector<16xi32>,
      %eq3A_338 = arith.cmpi eq, %gather3A_337, %add3A_327 : vector<16xi32>
      %or3A_339 = arith.ori %lt3A_330, %eq3A_338 : vector<16xi1>
      %mul3A_340 = arith.constant 8 : i32
      %mul3A_341 = vector.broadcast %mul3A_340 : i32 to vector<16xi32>
      %mul3A_342 = arith.muli %get3A_325, %mul3A_341 : vector<16xi32>
      %add3A_343 = arith.constant 1 : i32
      %add3A_344 = vector.broadcast %add3A_343 : i32 to vector<16xi32>
      %add3A_345 = arith.addi %mul3A_342, %add3A_344 : vector<16xi32>
      %gather3A_346 = tpu.vector_load_idx %arg4[%add3A_345] : memref<16384xi32, #tpu.memory_space<vmem>>[vector<16xi32>], vector<16xi32>,
      %eq3A_347 = arith.cmpi eq, %gather3A_346, %add3A_327 : vector<16xi32>
      %or3A_348 = arith.ori %or3A_339, %eq3A_347 : vector<16xi1>
      %mul3A_349 = arith.constant 8 : i32
      %mul3A_350 = vector.broadcast %mul3A_349 : i32 to vector<16xi32>
      %mul3A_351 = arith.muli %get3A_325, %mul3A_350 : vector<16xi32>
      %add3A_352 = arith.constant 2 : i32
      %add3A_353 = vector.broadcast %add3A_352 : i32 to vector<16xi32>
      %add3A_354 = arith.addi %mul3A_351, %add3A_353 : vector<16xi32>
      %gather3A_355 = tpu.vector_load_idx %arg4[%add3A_354] : memref<16384xi32, #tpu.memory_space<vmem>>[vector<16xi32>], vector<16xi32>,
      %eq3A_356 = arith.cmpi eq, %gather3A_355, %add3A_327 : vector<16xi32>
      %or3A_357 = arith.ori %or3A_348, %eq3A_356 : vector<16xi1>
      %mul3A_358 = arith.constant 8 : i32
      %mul3A_359 = vector.broadcast %mul3A_358 : i32 to vector<16xi32>
      %mul3A_360 = arith.muli %get3A_325, %mul3A_359 : vector<16xi32>
      %add3A_361 = arith.constant 3 : i32
      %add3A_362 = vector.broadcast %add3A_361 : i32 to vector<16xi32>
      %add3A_363 = arith.addi %mul3A_360, %add3A_362 : vector<16xi32>
      %gather3A_364 = tpu.vector_load_idx %arg4[%add3A_363] : memref<16384xi32, #tpu.memory_space<vmem>>[vector<16xi32>], vector<16xi32>,
      %eq3A_365 = arith.cmpi eq, %gather3A_364, %add3A_327 : vector<16xi32>
      %or3A_366 = arith.ori %or3A_357, %eq3A_365 : vector<16xi1>
      %mul3A_367 = arith.constant 8 : i32
      %mul3A_368 = vector.broadcast %mul3A_367 : i32 to vector<16xi32>
      %mul3A_369 = arith.muli %get3A_325, %mul3A_368 : vector<16xi32>
      %add3A_370 = arith.constant 4 : i32
      %add3A_371 = vector.broadcast %add3A_370 : i32 to vector<16xi32>
      %add3A_372 = arith.addi %mul3A_369, %add3A_371 : vector<16xi32>
      %gather3A_373 = tpu.vector_load_idx %arg4[%add3A_372] : memref<16384xi32, #tpu.memory_space<vmem>>[vector<16xi32>], vector<16xi32>,
      %eq3A_374 = arith.cmpi eq, %gather3A_373, %add3A_327 : vector<16xi32>
      %or3A_375 = arith.ori %or3A_366, %eq3A_374 : vector<16xi1>
      %mul3A_376 = arith.constant 8 : i32
      %mul3A_377 = vector.broadcast %mul3A_376 : i32 to vector<16xi32>
      %mul3A_378 = arith.muli %get3A_325, %mul3A_377 : vector<16xi32>
      %add3A_379 = arith.constant 5 : i32
      %add3A_380 = vector.broadcast %add3A_379 : i32 to vector<16xi32>
      %add3A_381 = arith.addi %mul3A_378, %add3A_380 : vector<16xi32>
      %gather3A_382 = tpu.vector_load_idx %arg4[%add3A_381] : memref<16384xi32, #tpu.memory_space<vmem>>[vector<16xi32>], vector<16xi32>,
      %eq3A_383 = arith.cmpi eq, %gather3A_382, %add3A_327 : vector<16xi32>
      %or3A_384 = arith.ori %or3A_375, %eq3A_383 : vector<16xi1>
      %mul3A_385 = arith.constant 8 : i32
      %mul3A_386 = vector.broadcast %mul3A_385 : i32 to vector<16xi32>
      %mul3A_387 = arith.muli %get3A_325, %mul3A_386 : vector<16xi32>
      %add3A_388 = arith.constant 6 : i32
      %add3A_389 = vector.broadcast %add3A_388 : i32 to vector<16xi32>
      %add3A_390 = arith.addi %mul3A_387, %add3A_389 : vector<16xi32>
      %gather3A_391 = tpu.vector_load_idx %arg4[%add3A_390] : memref<16384xi32, #tpu.memory_space<vmem>>[vector<16xi32>], vector<16xi32>,
      %eq3A_392 = arith.cmpi eq, %gather3A_391, %add3A_327 : vector<16xi32>
      %or3A_393 = arith.ori %or3A_384, %eq3A_392 : vector<16xi1>
      %mul3A_394 = arith.constant 8 : i32
      %mul3A_395 = vector.broadcast %mul3A_394 : i32 to vector<16xi32>
      %mul3A_396 = arith.muli %get3A_325, %mul3A_395 : vector<16xi32>
      %add3A_397 = arith.constant 7 : i32
      %add3A_398 = vector.broadcast %add3A_397 : i32 to vector<16xi32>
      %add3A_399 = arith.addi %mul3A_396, %add3A_398 : vector<16xi32>
      %gather3A_400 = tpu.vector_load_idx %arg4[%add3A_399] : memref<16384xi32, #tpu.memory_space<vmem>>[vector<16xi32>], vector<16xi32>,
      %eq3A_401 = arith.cmpi eq, %gather3A_400, %add3A_327 : vector<16xi32>
      %or3A_402 = arith.ori %or3A_393, %eq3A_401 : vector<16xi1>
      %add3A_403 = arith.constant 6 : i32
      %add3A_404 = vector.broadcast %add3A_403 : i32 to vector<16xi32>
      %add3A_405 = arith.addi %add3A_404, %convert_element_type3A : vector<16xi32>
      %mul3A_406 = arith.constant 2048 : i32
      %mul3A_407 = vector.broadcast %mul3A_406 : i32 to vector<16xi32>
      %mul3A_408 = arith.muli %add3A_405, %mul3A_407 : vector<16xi32>
      %add3A_409 = arith.addi %mul3A_408, %get3A_325 : vector<16xi32>
      tpu.vector_store_idx %arg5[%add3A_409], %broadcast_in_dim3A_42 masked %or3A_402 : memref<32768xf32, #tpu.memory_space<vmem>>[vector<16xi32>], vector<16xf32>, vector<16xi1>
      %add3A_410 = arith.constant 8 : i32
      %add3A_411 = arith.addi %add3A_52, %add3A_410 : i32
      %mul3A_412 = arith.constant 8 : i32
      %mul3A_413 = arith.muli %add3A_411, %mul3A_412 : i32
      %get3A_414 = arith.index_cast %mul3A_413 : i32 to index
      %get3A_415 = tpu.vector_load %arg4[%get3A_414] {strides = array<i32>} : memref<16384xi32, #tpu.memory_space<vmem>>, vector<16xi32>,
      %broadcast_in_dim3A_416 = vector.broadcast %add3A_411 : i32 to vector<16xi32>
      %add3A_417 = arith.addi %broadcast_in_dim3A_416, %convert_element_type3A : vector<16xi32>
      %lt3A_418 = arith.constant 0 : i32
      %lt3A_419 = vector.broadcast %lt3A_418 : i32 to vector<16xi32>
      %lt3A_420 = arith.cmpi slt, %iota3A, %lt3A_419 : vector<16xi32>
      %mul3A_421 = arith.constant 8 : i32
      %mul3A_422 = vector.broadcast %mul3A_421 : i32 to vector<16xi32>
      %mul3A_423 = arith.muli %get3A_415, %mul3A_422 : vector<16xi32>
      %add3A_424 = arith.constant 0 : i32
      %add3A_425 = vector.broadcast %add3A_424 : i32 to vector<16xi32>
      %add3A_426 = arith.addi %mul3A_423, %add3A_425 : vector<16xi32>
      %gather3A_427 = tpu.vector_load_idx %arg4[%add3A_426] : memref<16384xi32, #tpu.memory_space<vmem>>[vector<16xi32>], vector<16xi32>,
      %eq3A_428 = arith.cmpi eq, %gather3A_427, %add3A_417 : vector<16xi32>
      %or3A_429 = arith.ori %lt3A_420, %eq3A_428 : vector<16xi1>
      %mul3A_430 = arith.constant 8 : i32
      %mul3A_431 = vector.broadcast %mul3A_430 : i32 to vector<16xi32>
      %mul3A_432 = arith.muli %get3A_415, %mul3A_431 : vector<16xi32>
      %add3A_433 = arith.constant 1 : i32
      %add3A_434 = vector.broadcast %add3A_433 : i32 to vector<16xi32>
      %add3A_435 = arith.addi %mul3A_432, %add3A_434 : vector<16xi32>
      %gather3A_436 = tpu.vector_load_idx %arg4[%add3A_435] : memref<16384xi32, #tpu.memory_space<vmem>>[vector<16xi32>], vector<16xi32>,
      %eq3A_437 = arith.cmpi eq, %gather3A_436, %add3A_417 : vector<16xi32>
      %or3A_438 = arith.ori %or3A_429, %eq3A_437 : vector<16xi1>
      %mul3A_439 = arith.constant 8 : i32
      %mul3A_440 = vector.broadcast %mul3A_439 : i32 to vector<16xi32>
      %mul3A_441 = arith.muli %get3A_415, %mul3A_440 : vector<16xi32>
      %add3A_442 = arith.constant 2 : i32
      %add3A_443 = vector.broadcast %add3A_442 : i32 to vector<16xi32>
      %add3A_444 = arith.addi %mul3A_441, %add3A_443 : vector<16xi32>
      %gather3A_445 = tpu.vector_load_idx %arg4[%add3A_444] : memref<16384xi32, #tpu.memory_space<vmem>>[vector<16xi32>], vector<16xi32>,
      %eq3A_446 = arith.cmpi eq, %gather3A_445, %add3A_417 : vector<16xi32>
      %or3A_447 = arith.ori %or3A_438, %eq3A_446 : vector<16xi1>
      %mul3A_448 = arith.constant 8 : i32
      %mul3A_449 = vector.broadcast %mul3A_448 : i32 to vector<16xi32>
      %mul3A_450 = arith.muli %get3A_415, %mul3A_449 : vector<16xi32>
      %add3A_451 = arith.constant 3 : i32
      %add3A_452 = vector.broadcast %add3A_451 : i32 to vector<16xi32>
      %add3A_453 = arith.addi %mul3A_450, %add3A_452 : vector<16xi32>
      %gather3A_454 = tpu.vector_load_idx %arg4[%add3A_453] : memref<16384xi32, #tpu.memory_space<vmem>>[vector<16xi32>], vector<16xi32>,
      %eq3A_455 = arith.cmpi eq, %gather3A_454, %add3A_417 : vector<16xi32>
      %or3A_456 = arith.ori %or3A_447, %eq3A_455 : vector<16xi1>
      %mul3A_457 = arith.constant 8 : i32
      %mul3A_458 = vector.broadcast %mul3A_457 : i32 to vector<16xi32>
      %mul3A_459 = arith.muli %get3A_415, %mul3A_458 : vector<16xi32>
      %add3A_460 = arith.constant 4 : i32
      %add3A_461 = vector.broadcast %add3A_460 : i32 to vector<16xi32>
      %add3A_462 = arith.addi %mul3A_459, %add3A_461 : vector<16xi32>
      %gather3A_463 = tpu.vector_load_idx %arg4[%add3A_462] : memref<16384xi32, #tpu.memory_space<vmem>>[vector<16xi32>], vector<16xi32>,
      %eq3A_464 = arith.cmpi eq, %gather3A_463, %add3A_417 : vector<16xi32>
      %or3A_465 = arith.ori %or3A_456, %eq3A_464 : vector<16xi1>
      %mul3A_466 = arith.constant 8 : i32
      %mul3A_467 = vector.broadcast %mul3A_466 : i32 to vector<16xi32>
      %mul3A_468 = arith.muli %get3A_415, %mul3A_467 : vector<16xi32>
      %add3A_469 = arith.constant 5 : i32
      %add3A_470 = vector.broadcast %add3A_469 : i32 to vector<16xi32>
      %add3A_471 = arith.addi %mul3A_468, %add3A_470 : vector<16xi32>
      %gather3A_472 = tpu.vector_load_idx %arg4[%add3A_471] : memref<16384xi32, #tpu.memory_space<vmem>>[vector<16xi32>], vector<16xi32>,
      %eq3A_473 = arith.cmpi eq, %gather3A_472, %add3A_417 : vector<16xi32>
      %or3A_474 = arith.ori %or3A_465, %eq3A_473 : vector<16xi1>
      %mul3A_475 = arith.constant 8 : i32
      %mul3A_476 = vector.broadcast %mul3A_475 : i32 to vector<16xi32>
      %mul3A_477 = arith.muli %get3A_415, %mul3A_476 : vector<16xi32>
      %add3A_478 = arith.constant 6 : i32
      %add3A_479 = vector.broadcast %add3A_478 : i32 to vector<16xi32>
      %add3A_480 = arith.addi %mul3A_477, %add3A_479 : vector<16xi32>
      %gather3A_481 = tpu.vector_load_idx %arg4[%add3A_480] : memref<16384xi32, #tpu.memory_space<vmem>>[vector<16xi32>], vector<16xi32>,
      %eq3A_482 = arith.cmpi eq, %gather3A_481, %add3A_417 : vector<16xi32>
      %or3A_483 = arith.ori %or3A_474, %eq3A_482 : vector<16xi1>
      %mul3A_484 = arith.constant 8 : i32
      %mul3A_485 = vector.broadcast %mul3A_484 : i32 to vector<16xi32>
      %mul3A_486 = arith.muli %get3A_415, %mul3A_485 : vector<16xi32>
      %add3A_487 = arith.constant 7 : i32
      %add3A_488 = vector.broadcast %add3A_487 : i32 to vector<16xi32>
      %add3A_489 = arith.addi %mul3A_486, %add3A_488 : vector<16xi32>
      %gather3A_490 = tpu.vector_load_idx %arg4[%add3A_489] : memref<16384xi32, #tpu.memory_space<vmem>>[vector<16xi32>], vector<16xi32>,
      %eq3A_491 = arith.cmpi eq, %gather3A_490, %add3A_417 : vector<16xi32>
      %or3A_492 = arith.ori %or3A_483, %eq3A_491 : vector<16xi1>
      %add3A_493 = arith.constant 8 : i32
      %add3A_494 = vector.broadcast %add3A_493 : i32 to vector<16xi32>
      %add3A_495 = arith.addi %add3A_494, %convert_element_type3A : vector<16xi32>
      %mul3A_496 = arith.constant 2048 : i32
      %mul3A_497 = vector.broadcast %mul3A_496 : i32 to vector<16xi32>
      %mul3A_498 = arith.muli %add3A_495, %mul3A_497 : vector<16xi32>
      %add3A_499 = arith.addi %mul3A_498, %get3A_415 : vector<16xi32>
      tpu.vector_store_idx %arg5[%add3A_499], %broadcast_in_dim3A_42 masked %or3A_492 : memref<32768xf32, #tpu.memory_space<vmem>>[vector<16xi32>], vector<16xf32>, vector<16xi1>
      %add3A_500 = arith.constant 10 : i32
      %add3A_501 = arith.addi %add3A_52, %add3A_500 : i32
      %mul3A_502 = arith.constant 8 : i32
      %mul3A_503 = arith.muli %add3A_501, %mul3A_502 : i32
      %get3A_504 = arith.index_cast %mul3A_503 : i32 to index
      %get3A_505 = tpu.vector_load %arg4[%get3A_504] {strides = array<i32>} : memref<16384xi32, #tpu.memory_space<vmem>>, vector<16xi32>,
      %broadcast_in_dim3A_506 = vector.broadcast %add3A_501 : i32 to vector<16xi32>
      %add3A_507 = arith.addi %broadcast_in_dim3A_506, %convert_element_type3A : vector<16xi32>
      %lt3A_508 = arith.constant 0 : i32
      %lt3A_509 = vector.broadcast %lt3A_508 : i32 to vector<16xi32>
      %lt3A_510 = arith.cmpi slt, %iota3A, %lt3A_509 : vector<16xi32>
      %mul3A_511 = arith.constant 8 : i32
      %mul3A_512 = vector.broadcast %mul3A_511 : i32 to vector<16xi32>
      %mul3A_513 = arith.muli %get3A_505, %mul3A_512 : vector<16xi32>
      %add3A_514 = arith.constant 0 : i32
      %add3A_515 = vector.broadcast %add3A_514 : i32 to vector<16xi32>
      %add3A_516 = arith.addi %mul3A_513, %add3A_515 : vector<16xi32>
      %gather3A_517 = tpu.vector_load_idx %arg4[%add3A_516] : memref<16384xi32, #tpu.memory_space<vmem>>[vector<16xi32>], vector<16xi32>,
      %eq3A_518 = arith.cmpi eq, %gather3A_517, %add3A_507 : vector<16xi32>
      %or3A_519 = arith.ori %lt3A_510, %eq3A_518 : vector<16xi1>
      %mul3A_520 = arith.constant 8 : i32
      %mul3A_521 = vector.broadcast %mul3A_520 : i32 to vector<16xi32>
      %mul3A_522 = arith.muli %get3A_505, %mul3A_521 : vector<16xi32>
      %add3A_523 = arith.constant 1 : i32
      %add3A_524 = vector.broadcast %add3A_523 : i32 to vector<16xi32>
      %add3A_525 = arith.addi %mul3A_522, %add3A_524 : vector<16xi32>
      %gather3A_526 = tpu.vector_load_idx %arg4[%add3A_525] : memref<16384xi32, #tpu.memory_space<vmem>>[vector<16xi32>], vector<16xi32>,
      %eq3A_527 = arith.cmpi eq, %gather3A_526, %add3A_507 : vector<16xi32>
      %or3A_528 = arith.ori %or3A_519, %eq3A_527 : vector<16xi1>
      %mul3A_529 = arith.constant 8 : i32
      %mul3A_530 = vector.broadcast %mul3A_529 : i32 to vector<16xi32>
      %mul3A_531 = arith.muli %get3A_505, %mul3A_530 : vector<16xi32>
      %add3A_532 = arith.constant 2 : i32
      %add3A_533 = vector.broadcast %add3A_532 : i32 to vector<16xi32>
      %add3A_534 = arith.addi %mul3A_531, %add3A_533 : vector<16xi32>
      %gather3A_535 = tpu.vector_load_idx %arg4[%add3A_534] : memref<16384xi32, #tpu.memory_space<vmem>>[vector<16xi32>], vector<16xi32>,
      %eq3A_536 = arith.cmpi eq, %gather3A_535, %add3A_507 : vector<16xi32>
      %or3A_537 = arith.ori %or3A_528, %eq3A_536 : vector<16xi1>
      %mul3A_538 = arith.constant 8 : i32
      %mul3A_539 = vector.broadcast %mul3A_538 : i32 to vector<16xi32>
      %mul3A_540 = arith.muli %get3A_505, %mul3A_539 : vector<16xi32>
      %add3A_541 = arith.constant 3 : i32
      %add3A_542 = vector.broadcast %add3A_541 : i32 to vector<16xi32>
      %add3A_543 = arith.addi %mul3A_540, %add3A_542 : vector<16xi32>
      %gather3A_544 = tpu.vector_load_idx %arg4[%add3A_543] : memref<16384xi32, #tpu.memory_space<vmem>>[vector<16xi32>], vector<16xi32>,
      %eq3A_545 = arith.cmpi eq, %gather3A_544, %add3A_507 : vector<16xi32>
      %or3A_546 = arith.ori %or3A_537, %eq3A_545 : vector<16xi1>
      %mul3A_547 = arith.constant 8 : i32
      %mul3A_548 = vector.broadcast %mul3A_547 : i32 to vector<16xi32>
      %mul3A_549 = arith.muli %get3A_505, %mul3A_548 : vector<16xi32>
      %add3A_550 = arith.constant 4 : i32
      %add3A_551 = vector.broadcast %add3A_550 : i32 to vector<16xi32>
      %add3A_552 = arith.addi %mul3A_549, %add3A_551 : vector<16xi32>
      %gather3A_553 = tpu.vector_load_idx %arg4[%add3A_552] : memref<16384xi32, #tpu.memory_space<vmem>>[vector<16xi32>], vector<16xi32>,
      %eq3A_554 = arith.cmpi eq, %gather3A_553, %add3A_507 : vector<16xi32>
      %or3A_555 = arith.ori %or3A_546, %eq3A_554 : vector<16xi1>
      %mul3A_556 = arith.constant 8 : i32
      %mul3A_557 = vector.broadcast %mul3A_556 : i32 to vector<16xi32>
      %mul3A_558 = arith.muli %get3A_505, %mul3A_557 : vector<16xi32>
      %add3A_559 = arith.constant 5 : i32
      %add3A_560 = vector.broadcast %add3A_559 : i32 to vector<16xi32>
      %add3A_561 = arith.addi %mul3A_558, %add3A_560 : vector<16xi32>
      %gather3A_562 = tpu.vector_load_idx %arg4[%add3A_561] : memref<16384xi32, #tpu.memory_space<vmem>>[vector<16xi32>], vector<16xi32>,
      %eq3A_563 = arith.cmpi eq, %gather3A_562, %add3A_507 : vector<16xi32>
      %or3A_564 = arith.ori %or3A_555, %eq3A_563 : vector<16xi1>
      %mul3A_565 = arith.constant 8 : i32
      %mul3A_566 = vector.broadcast %mul3A_565 : i32 to vector<16xi32>
      %mul3A_567 = arith.muli %get3A_505, %mul3A_566 : vector<16xi32>
      %add3A_568 = arith.constant 6 : i32
      %add3A_569 = vector.broadcast %add3A_568 : i32 to vector<16xi32>
      %add3A_570 = arith.addi %mul3A_567, %add3A_569 : vector<16xi32>
      %gather3A_571 = tpu.vector_load_idx %arg4[%add3A_570] : memref<16384xi32, #tpu.memory_space<vmem>>[vector<16xi32>], vector<16xi32>,
      %eq3A_572 = arith.cmpi eq, %gather3A_571, %add3A_507 : vector<16xi32>
      %or3A_573 = arith.ori %or3A_564, %eq3A_572 : vector<16xi1>
      %mul3A_574 = arith.constant 8 : i32
      %mul3A_575 = vector.broadcast %mul3A_574 : i32 to vector<16xi32>
      %mul3A_576 = arith.muli %get3A_505, %mul3A_575 : vector<16xi32>
      %add3A_577 = arith.constant 7 : i32
      %add3A_578 = vector.broadcast %add3A_577 : i32 to vector<16xi32>
      %add3A_579 = arith.addi %mul3A_576, %add3A_578 : vector<16xi32>
      %gather3A_580 = tpu.vector_load_idx %arg4[%add3A_579] : memref<16384xi32, #tpu.memory_space<vmem>>[vector<16xi32>], vector<16xi32>,
      %eq3A_581 = arith.cmpi eq, %gather3A_580, %add3A_507 : vector<16xi32>
      %or3A_582 = arith.ori %or3A_573, %eq3A_581 : vector<16xi1>
      %add3A_583 = arith.constant 10 : i32
      %add3A_584 = vector.broadcast %add3A_583 : i32 to vector<16xi32>
      %add3A_585 = arith.addi %add3A_584, %convert_element_type3A : vector<16xi32>
      %mul3A_586 = arith.constant 2048 : i32
      %mul3A_587 = vector.broadcast %mul3A_586 : i32 to vector<16xi32>
      %mul3A_588 = arith.muli %add3A_585, %mul3A_587 : vector<16xi32>
      %add3A_589 = arith.addi %mul3A_588, %get3A_505 : vector<16xi32>
      tpu.vector_store_idx %arg5[%add3A_589], %broadcast_in_dim3A_42 masked %or3A_582 : memref<32768xf32, #tpu.memory_space<vmem>>[vector<16xi32>], vector<16xf32>, vector<16xi1>
      %add3A_590 = arith.constant 12 : i32
      %add3A_591 = arith.addi %add3A_52, %add3A_590 : i32
      %mul3A_592 = arith.constant 8 : i32
      %mul3A_593 = arith.muli %add3A_591, %mul3A_592 : i32
      %get3A_594 = arith.index_cast %mul3A_593 : i32 to index
      %get3A_595 = tpu.vector_load %arg4[%get3A_594] {strides = array<i32>} : memref<16384xi32, #tpu.memory_space<vmem>>, vector<16xi32>,
      %broadcast_in_dim3A_596 = vector.broadcast %add3A_591 : i32 to vector<16xi32>
      %add3A_597 = arith.addi %broadcast_in_dim3A_596, %convert_element_type3A : vector<16xi32>
      %lt3A_598 = arith.constant 0 : i32
      %lt3A_599 = vector.broadcast %lt3A_598 : i32 to vector<16xi32>
      %lt3A_600 = arith.cmpi slt, %iota3A, %lt3A_599 : vector<16xi32>
      %mul3A_601 = arith.constant 8 : i32
      %mul3A_602 = vector.broadcast %mul3A_601 : i32 to vector<16xi32>
      %mul3A_603 = arith.muli %get3A_595, %mul3A_602 : vector<16xi32>
      %add3A_604 = arith.constant 0 : i32
      %add3A_605 = vector.broadcast %add3A_604 : i32 to vector<16xi32>
      %add3A_606 = arith.addi %mul3A_603, %add3A_605 : vector<16xi32>
      %gather3A_607 = tpu.vector_load_idx %arg4[%add3A_606] : memref<16384xi32, #tpu.memory_space<vmem>>[vector<16xi32>], vector<16xi32>,
      %eq3A_608 = arith.cmpi eq, %gather3A_607, %add3A_597 : vector<16xi32>
      %or3A_609 = arith.ori %lt3A_600, %eq3A_608 : vector<16xi1>
      %mul3A_610 = arith.constant 8 : i32
      %mul3A_611 = vector.broadcast %mul3A_610 : i32 to vector<16xi32>
      %mul3A_612 = arith.muli %get3A_595, %mul3A_611 : vector<16xi32>
      %add3A_613 = arith.constant 1 : i32
      %add3A_614 = vector.broadcast %add3A_613 : i32 to vector<16xi32>
      %add3A_615 = arith.addi %mul3A_612, %add3A_614 : vector<16xi32>
      %gather3A_616 = tpu.vector_load_idx %arg4[%add3A_615] : memref<16384xi32, #tpu.memory_space<vmem>>[vector<16xi32>], vector<16xi32>,
      %eq3A_617 = arith.cmpi eq, %gather3A_616, %add3A_597 : vector<16xi32>
      %or3A_618 = arith.ori %or3A_609, %eq3A_617 : vector<16xi1>
      %mul3A_619 = arith.constant 8 : i32
      %mul3A_620 = vector.broadcast %mul3A_619 : i32 to vector<16xi32>
      %mul3A_621 = arith.muli %get3A_595, %mul3A_620 : vector<16xi32>
      %add3A_622 = arith.constant 2 : i32
      %add3A_623 = vector.broadcast %add3A_622 : i32 to vector<16xi32>
      %add3A_624 = arith.addi %mul3A_621, %add3A_623 : vector<16xi32>
      %gather3A_625 = tpu.vector_load_idx %arg4[%add3A_624] : memref<16384xi32, #tpu.memory_space<vmem>>[vector<16xi32>], vector<16xi32>,
      %eq3A_626 = arith.cmpi eq, %gather3A_625, %add3A_597 : vector<16xi32>
      %or3A_627 = arith.ori %or3A_618, %eq3A_626 : vector<16xi1>
      %mul3A_628 = arith.constant 8 : i32
      %mul3A_629 = vector.broadcast %mul3A_628 : i32 to vector<16xi32>
      %mul3A_630 = arith.muli %get3A_595, %mul3A_629 : vector<16xi32>
      %add3A_631 = arith.constant 3 : i32
      %add3A_632 = vector.broadcast %add3A_631 : i32 to vector<16xi32>
      %add3A_633 = arith.addi %mul3A_630, %add3A_632 : vector<16xi32>
      %gather3A_634 = tpu.vector_load_idx %arg4[%add3A_633] : memref<16384xi32, #tpu.memory_space<vmem>>[vector<16xi32>], vector<16xi32>,
      %eq3A_635 = arith.cmpi eq, %gather3A_634, %add3A_597 : vector<16xi32>
      %or3A_636 = arith.ori %or3A_627, %eq3A_635 : vector<16xi1>
      %mul3A_637 = arith.constant 8 : i32
      %mul3A_638 = vector.broadcast %mul3A_637 : i32 to vector<16xi32>
      %mul3A_639 = arith.muli %get3A_595, %mul3A_638 : vector<16xi32>
      %add3A_640 = arith.constant 4 : i32
      %add3A_641 = vector.broadcast %add3A_640 : i32 to vector<16xi32>
      %add3A_642 = arith.addi %mul3A_639, %add3A_641 : vector<16xi32>
      %gather3A_643 = tpu.vector_load_idx %arg4[%add3A_642] : memref<16384xi32, #tpu.memory_space<vmem>>[vector<16xi32>], vector<16xi32>,
      %eq3A_644 = arith.cmpi eq, %gather3A_643, %add3A_597 : vector<16xi32>
      %or3A_645 = arith.ori %or3A_636, %eq3A_644 : vector<16xi1>
      %mul3A_646 = arith.constant 8 : i32
      %mul3A_647 = vector.broadcast %mul3A_646 : i32 to vector<16xi32>
      %mul3A_648 = arith.muli %get3A_595, %mul3A_647 : vector<16xi32>
      %add3A_649 = arith.constant 5 : i32
      %add3A_650 = vector.broadcast %add3A_649 : i32 to vector<16xi32>
      %add3A_651 = arith.addi %mul3A_648, %add3A_650 : vector<16xi32>
      %gather3A_652 = tpu.vector_load_idx %arg4[%add3A_651] : memref<16384xi32, #tpu.memory_space<vmem>>[vector<16xi32>], vector<16xi32>,
      %eq3A_653 = arith.cmpi eq, %gather3A_652, %add3A_597 : vector<16xi32>
      %or3A_654 = arith.ori %or3A_645, %eq3A_653 : vector<16xi1>
      %mul3A_655 = arith.constant 8 : i32
      %mul3A_656 = vector.broadcast %mul3A_655 : i32 to vector<16xi32>
      %mul3A_657 = arith.muli %get3A_595, %mul3A_656 : vector<16xi32>
      %add3A_658 = arith.constant 6 : i32
      %add3A_659 = vector.broadcast %add3A_658 : i32 to vector<16xi32>
      %add3A_660 = arith.addi %mul3A_657, %add3A_659 : vector<16xi32>
      %gather3A_661 = tpu.vector_load_idx %arg4[%add3A_660] : memref<16384xi32, #tpu.memory_space<vmem>>[vector<16xi32>], vector<16xi32>,
      %eq3A_662 = arith.cmpi eq, %gather3A_661, %add3A_597 : vector<16xi32>
      %or3A_663 = arith.ori %or3A_654, %eq3A_662 : vector<16xi1>
      %mul3A_664 = arith.constant 8 : i32
      %mul3A_665 = vector.broadcast %mul3A_664 : i32 to vector<16xi32>
      %mul3A_666 = arith.muli %get3A_595, %mul3A_665 : vector<16xi32>
      %add3A_667 = arith.constant 7 : i32
      %add3A_668 = vector.broadcast %add3A_667 : i32 to vector<16xi32>
      %add3A_669 = arith.addi %mul3A_666, %add3A_668 : vector<16xi32>
      %gather3A_670 = tpu.vector_load_idx %arg4[%add3A_669] : memref<16384xi32, #tpu.memory_space<vmem>>[vector<16xi32>], vector<16xi32>,
      %eq3A_671 = arith.cmpi eq, %gather3A_670, %add3A_597 : vector<16xi32>
      %or3A_672 = arith.ori %or3A_663, %eq3A_671 : vector<16xi1>
      %add3A_673 = arith.constant 12 : i32
      %add3A_674 = vector.broadcast %add3A_673 : i32 to vector<16xi32>
      %add3A_675 = arith.addi %add3A_674, %convert_element_type3A : vector<16xi32>
      %mul3A_676 = arith.constant 2048 : i32
      %mul3A_677 = vector.broadcast %mul3A_676 : i32 to vector<16xi32>
      %mul3A_678 = arith.muli %add3A_675, %mul3A_677 : vector<16xi32>
      %add3A_679 = arith.addi %mul3A_678, %get3A_595 : vector<16xi32>
      tpu.vector_store_idx %arg5[%add3A_679], %broadcast_in_dim3A_42 masked %or3A_672 : memref<32768xf32, #tpu.memory_space<vmem>>[vector<16xi32>], vector<16xf32>, vector<16xi1>
      %add3A_680 = arith.constant 14 : i32
      %add3A_681 = arith.addi %add3A_52, %add3A_680 : i32
      %mul3A_682 = arith.constant 8 : i32
      %mul3A_683 = arith.muli %add3A_681, %mul3A_682 : i32
      %get3A_684 = arith.index_cast %mul3A_683 : i32 to index
      %get3A_685 = tpu.vector_load %arg4[%get3A_684] {strides = array<i32>} : memref<16384xi32, #tpu.memory_space<vmem>>, vector<16xi32>,
      %broadcast_in_dim3A_686 = vector.broadcast %add3A_681 : i32 to vector<16xi32>
      %add3A_687 = arith.addi %broadcast_in_dim3A_686, %convert_element_type3A : vector<16xi32>
      %lt3A_688 = arith.constant 0 : i32
      %lt3A_689 = vector.broadcast %lt3A_688 : i32 to vector<16xi32>
      %lt3A_690 = arith.cmpi slt, %iota3A, %lt3A_689 : vector<16xi32>
      %mul3A_691 = arith.constant 8 : i32
      %mul3A_692 = vector.broadcast %mul3A_691 : i32 to vector<16xi32>
      %mul3A_693 = arith.muli %get3A_685, %mul3A_692 : vector<16xi32>
      %add3A_694 = arith.constant 0 : i32
      %add3A_695 = vector.broadcast %add3A_694 : i32 to vector<16xi32>
      %add3A_696 = arith.addi %mul3A_693, %add3A_695 : vector<16xi32>
      %gather3A_697 = tpu.vector_load_idx %arg4[%add3A_696] : memref<16384xi32, #tpu.memory_space<vmem>>[vector<16xi32>], vector<16xi32>,
      %eq3A_698 = arith.cmpi eq, %gather3A_697, %add3A_687 : vector<16xi32>
      %or3A_699 = arith.ori %lt3A_690, %eq3A_698 : vector<16xi1>
      %mul3A_700 = arith.constant 8 : i32
      %mul3A_701 = vector.broadcast %mul3A_700 : i32 to vector<16xi32>
      %mul3A_702 = arith.muli %get3A_685, %mul3A_701 : vector<16xi32>
      %add3A_703 = arith.constant 1 : i32
      %add3A_704 = vector.broadcast %add3A_703 : i32 to vector<16xi32>
      %add3A_705 = arith.addi %mul3A_702, %add3A_704 : vector<16xi32>
      %gather3A_706 = tpu.vector_load_idx %arg4[%add3A_705] : memref<16384xi32, #tpu.memory_space<vmem>>[vector<16xi32>], vector<16xi32>,
      %eq3A_707 = arith.cmpi eq, %gather3A_706, %add3A_687 : vector<16xi32>
      %or3A_708 = arith.ori %or3A_699, %eq3A_707 : vector<16xi1>
      %mul3A_709 = arith.constant 8 : i32
      %mul3A_710 = vector.broadcast %mul3A_709 : i32 to vector<16xi32>
      %mul3A_711 = arith.muli %get3A_685, %mul3A_710 : vector<16xi32>
      %add3A_712 = arith.constant 2 : i32
      %add3A_713 = vector.broadcast %add3A_712 : i32 to vector<16xi32>
      %add3A_714 = arith.addi %mul3A_711, %add3A_713 : vector<16xi32>
      %gather3A_715 = tpu.vector_load_idx %arg4[%add3A_714] : memref<16384xi32, #tpu.memory_space<vmem>>[vector<16xi32>], vector<16xi32>,
      %eq3A_716 = arith.cmpi eq, %gather3A_715, %add3A_687 : vector<16xi32>
      %or3A_717 = arith.ori %or3A_708, %eq3A_716 : vector<16xi1>
      %mul3A_718 = arith.constant 8 : i32
      %mul3A_719 = vector.broadcast %mul3A_718 : i32 to vector<16xi32>
      %mul3A_720 = arith.muli %get3A_685, %mul3A_719 : vector<16xi32>
      %add3A_721 = arith.constant 3 : i32
      %add3A_722 = vector.broadcast %add3A_721 : i32 to vector<16xi32>
      %add3A_723 = arith.addi %mul3A_720, %add3A_722 : vector<16xi32>
      %gather3A_724 = tpu.vector_load_idx %arg4[%add3A_723] : memref<16384xi32, #tpu.memory_space<vmem>>[vector<16xi32>], vector<16xi32>,
      %eq3A_725 = arith.cmpi eq, %gather3A_724, %add3A_687 : vector<16xi32>
      %or3A_726 = arith.ori %or3A_717, %eq3A_725 : vector<16xi1>
      %mul3A_727 = arith.constant 8 : i32
      %mul3A_728 = vector.broadcast %mul3A_727 : i32 to vector<16xi32>
      %mul3A_729 = arith.muli %get3A_685, %mul3A_728 : vector<16xi32>
      %add3A_730 = arith.constant 4 : i32
      %add3A_731 = vector.broadcast %add3A_730 : i32 to vector<16xi32>
      %add3A_732 = arith.addi %mul3A_729, %add3A_731 : vector<16xi32>
      %gather3A_733 = tpu.vector_load_idx %arg4[%add3A_732] : memref<16384xi32, #tpu.memory_space<vmem>>[vector<16xi32>], vector<16xi32>,
      %eq3A_734 = arith.cmpi eq, %gather3A_733, %add3A_687 : vector<16xi32>
      %or3A_735 = arith.ori %or3A_726, %eq3A_734 : vector<16xi1>
      %mul3A_736 = arith.constant 8 : i32
      %mul3A_737 = vector.broadcast %mul3A_736 : i32 to vector<16xi32>
      %mul3A_738 = arith.muli %get3A_685, %mul3A_737 : vector<16xi32>
      %add3A_739 = arith.constant 5 : i32
      %add3A_740 = vector.broadcast %add3A_739 : i32 to vector<16xi32>
      %add3A_741 = arith.addi %mul3A_738, %add3A_740 : vector<16xi32>
      %gather3A_742 = tpu.vector_load_idx %arg4[%add3A_741] : memref<16384xi32, #tpu.memory_space<vmem>>[vector<16xi32>], vector<16xi32>,
      %eq3A_743 = arith.cmpi eq, %gather3A_742, %add3A_687 : vector<16xi32>
      %or3A_744 = arith.ori %or3A_735, %eq3A_743 : vector<16xi1>
      %mul3A_745 = arith.constant 8 : i32
      %mul3A_746 = vector.broadcast %mul3A_745 : i32 to vector<16xi32>
      %mul3A_747 = arith.muli %get3A_685, %mul3A_746 : vector<16xi32>
      %add3A_748 = arith.constant 6 : i32
      %add3A_749 = vector.broadcast %add3A_748 : i32 to vector<16xi32>
      %add3A_750 = arith.addi %mul3A_747, %add3A_749 : vector<16xi32>
      %gather3A_751 = tpu.vector_load_idx %arg4[%add3A_750] : memref<16384xi32, #tpu.memory_space<vmem>>[vector<16xi32>], vector<16xi32>,
      %eq3A_752 = arith.cmpi eq, %gather3A_751, %add3A_687 : vector<16xi32>
      %or3A_753 = arith.ori %or3A_744, %eq3A_752 : vector<16xi1>
      %mul3A_754 = arith.constant 8 : i32
      %mul3A_755 = vector.broadcast %mul3A_754 : i32 to vector<16xi32>
      %mul3A_756 = arith.muli %get3A_685, %mul3A_755 : vector<16xi32>
      %add3A_757 = arith.constant 7 : i32
      %add3A_758 = vector.broadcast %add3A_757 : i32 to vector<16xi32>
      %add3A_759 = arith.addi %mul3A_756, %add3A_758 : vector<16xi32>
      %gather3A_760 = tpu.vector_load_idx %arg4[%add3A_759] : memref<16384xi32, #tpu.memory_space<vmem>>[vector<16xi32>], vector<16xi32>,
      %eq3A_761 = arith.cmpi eq, %gather3A_760, %add3A_687 : vector<16xi32>
      %or3A_762 = arith.ori %or3A_753, %eq3A_761 : vector<16xi1>
      %add3A_763 = arith.constant 14 : i32
      %add3A_764 = vector.broadcast %add3A_763 : i32 to vector<16xi32>
      %add3A_765 = arith.addi %add3A_764, %convert_element_type3A : vector<16xi32>
      %mul3A_766 = arith.constant 2048 : i32
      %mul3A_767 = vector.broadcast %mul3A_766 : i32 to vector<16xi32>
      %mul3A_768 = arith.muli %add3A_765, %mul3A_767 : vector<16xi32>
      %add3A_769 = arith.addi %mul3A_768, %get3A_685 : vector<16xi32>
      tpu.vector_store_idx %arg5[%add3A_769], %broadcast_in_dim3A_42 masked %or3A_762 : memref<32768xf32, #tpu.memory_space<vmem>>[vector<16xi32>], vector<16xf32>, vector<16xi1>
      %mul3A_770 = arith.constant 2048 : i32
      %mul3A_771 = arith.muli %select_n3A, %mul3A_770 : i32
      %add3A_772 = arith.addi %mul3A_771, %add3A_52 : i32
      %mul3A_773 = arith.constant 2048 : i32
      %mul3A_774 = arith.muli %add3A_772, %mul3A_773 : i32
      "tpu.region"() ({
        %run_scoped3A = tpu.sem_alloc : memref<!tpu.dma_semaphore, #tpu.memory_space<semaphore_mem>>
        %dma_start3A = tpu.memref_slice %arg3[%mul3A_774] : memref<16777216xf32, #tpu.memory_space<hbm>> -> memref<32768xf32, #tpu.memory_space<hbm>>
        %dma_start3A_879 = tpu.memref_slice %arg3[%mul3A_774] : memref<16777216xf32, #tpu.memory_space<hbm>> -> memref<32768xf32, #tpu.memory_space<hbm>>
        tpu.enqueue_dma source(%arg5 : memref<32768xf32, #tpu.memory_space<vmem>>) target(%dma_start3A_879 : memref<32768xf32, #tpu.memory_space<hbm>>) target_semaphore(%run_scoped3A : memref<!tpu.dma_semaphore, #tpu.memory_space<semaphore_mem>>)
        %dma_wait3A = tpu.memref_slice %arg3[%mul3A_774] : memref<16777216xf32, #tpu.memory_space<hbm>> -> memref<32768xf32, #tpu.memory_space<hbm>>
        %dma_wait3A_880 = tpu.memref_slice %arg3[%mul3A_774] : memref<16777216xf32, #tpu.memory_space<hbm>> -> memref<32768xf32, #tpu.memory_space<hbm>>
        tpu.wait_dma2 semaphore(%run_scoped3A : memref<!tpu.dma_semaphore, #tpu.memory_space<semaphore_mem>>) src(%arg5 : memref<32768xf32, #tpu.memory_space<vmem>>) dst(%dma_wait3A_880 : memref<32768xf32, #tpu.memory_space<hbm>>)
        tpu.yield
      }) : () -> ()
      %add3A_775 = arith.constant 0 : i32
      %add3A_776 = arith.addi %add3A_52, %add3A_775 : i32
      %mul3A_777 = arith.constant 8 : i32
      %mul3A_778 = arith.muli %add3A_776, %mul3A_777 : i32
      %get3A_779 = arith.index_cast %mul3A_778 : i32 to index
      %get3A_780 = tpu.vector_load %arg4[%get3A_779] {strides = array<i32>} : memref<16384xi32, #tpu.memory_space<vmem>>, vector<16xi32>,
      %add3A_781 = arith.constant 0 : i32
      %add3A_782 = vector.broadcast %add3A_781 : i32 to vector<16xi32>
      %add3A_783 = arith.addi %add3A_782, %convert_element_type3A : vector<16xi32>
      %mul3A_784 = arith.constant 2048 : i32
      %mul3A_785 = vector.broadcast %mul3A_784 : i32 to vector<16xi32>
      %mul3A_786 = arith.muli %add3A_783, %mul3A_785 : vector<16xi32>
      %add3A_787 = arith.addi %mul3A_786, %get3A_780 : vector<16xi32>
      tpu.vector_store_idx %arg5[%add3A_787], %broadcast_in_dim3A_33 : memref<32768xf32, #tpu.memory_space<vmem>>[vector<16xi32>], vector<16xf32>,
      %add3A_788 = arith.constant 2 : i32
      %add3A_789 = arith.addi %add3A_52, %add3A_788 : i32
      %mul3A_790 = arith.constant 8 : i32
      %mul3A_791 = arith.muli %add3A_789, %mul3A_790 : i32
      %get3A_792 = arith.index_cast %mul3A_791 : i32 to index
      %get3A_793 = tpu.vector_load %arg4[%get3A_792] {strides = array<i32>} : memref<16384xi32, #tpu.memory_space<vmem>>, vector<16xi32>,
      %add3A_794 = arith.constant 2 : i32
      %add3A_795 = vector.broadcast %add3A_794 : i32 to vector<16xi32>
      %add3A_796 = arith.addi %add3A_795, %convert_element_type3A : vector<16xi32>
      %mul3A_797 = arith.constant 2048 : i32
      %mul3A_798 = vector.broadcast %mul3A_797 : i32 to vector<16xi32>
      %mul3A_799 = arith.muli %add3A_796, %mul3A_798 : vector<16xi32>
      %add3A_800 = arith.addi %mul3A_799, %get3A_793 : vector<16xi32>
      tpu.vector_store_idx %arg5[%add3A_800], %broadcast_in_dim3A_33 : memref<32768xf32, #tpu.memory_space<vmem>>[vector<16xi32>], vector<16xf32>,
      %add3A_801 = arith.constant 4 : i32
      %add3A_802 = arith.addi %add3A_52, %add3A_801 : i32
      %mul3A_803 = arith.constant 8 : i32
      %mul3A_804 = arith.muli %add3A_802, %mul3A_803 : i32
      %get3A_805 = arith.index_cast %mul3A_804 : i32 to index
      %get3A_806 = tpu.vector_load %arg4[%get3A_805] {strides = array<i32>} : memref<16384xi32, #tpu.memory_space<vmem>>, vector<16xi32>,
      %add3A_807 = arith.constant 4 : i32
      %add3A_808 = vector.broadcast %add3A_807 : i32 to vector<16xi32>
      %add3A_809 = arith.addi %add3A_808, %convert_element_type3A : vector<16xi32>
      %mul3A_810 = arith.constant 2048 : i32
      %mul3A_811 = vector.broadcast %mul3A_810 : i32 to vector<16xi32>
      %mul3A_812 = arith.muli %add3A_809, %mul3A_811 : vector<16xi32>
      %add3A_813 = arith.addi %mul3A_812, %get3A_806 : vector<16xi32>
      tpu.vector_store_idx %arg5[%add3A_813], %broadcast_in_dim3A_33 : memref<32768xf32, #tpu.memory_space<vmem>>[vector<16xi32>], vector<16xf32>,
      %add3A_814 = arith.constant 6 : i32
      %add3A_815 = arith.addi %add3A_52, %add3A_814 : i32
      %mul3A_816 = arith.constant 8 : i32
      %mul3A_817 = arith.muli %add3A_815, %mul3A_816 : i32
      %get3A_818 = arith.index_cast %mul3A_817 : i32 to index
      %get3A_819 = tpu.vector_load %arg4[%get3A_818] {strides = array<i32>} : memref<16384xi32, #tpu.memory_space<vmem>>, vector<16xi32>,
      %add3A_820 = arith.constant 6 : i32
      %add3A_821 = vector.broadcast %add3A_820 : i32 to vector<16xi32>
      %add3A_822 = arith.addi %add3A_821, %convert_element_type3A : vector<16xi32>
      %mul3A_823 = arith.constant 2048 : i32
      %mul3A_824 = vector.broadcast %mul3A_823 : i32 to vector<16xi32>
      %mul3A_825 = arith.muli %add3A_822, %mul3A_824 : vector<16xi32>
      %add3A_826 = arith.addi %mul3A_825, %get3A_819 : vector<16xi32>
      tpu.vector_store_idx %arg5[%add3A_826], %broadcast_in_dim3A_33 : memref<32768xf32, #tpu.memory_space<vmem>>[vector<16xi32>], vector<16xf32>,
      %add3A_827 = arith.constant 8 : i32
      %add3A_828 = arith.addi %add3A_52, %add3A_827 : i32
      %mul3A_829 = arith.constant 8 : i32
      %mul3A_830 = arith.muli %add3A_828, %mul3A_829 : i32
      %get3A_831 = arith.index_cast %mul3A_830 : i32 to index
      %get3A_832 = tpu.vector_load %arg4[%get3A_831] {strides = array<i32>} : memref<16384xi32, #tpu.memory_space<vmem>>, vector<16xi32>,
      %add3A_833 = arith.constant 8 : i32
      %add3A_834 = vector.broadcast %add3A_833 : i32 to vector<16xi32>
      %add3A_835 = arith.addi %add3A_834, %convert_element_type3A : vector<16xi32>
      %mul3A_836 = arith.constant 2048 : i32
      %mul3A_837 = vector.broadcast %mul3A_836 : i32 to vector<16xi32>
      %mul3A_838 = arith.muli %add3A_835, %mul3A_837 : vector<16xi32>
      %add3A_839 = arith.addi %mul3A_838, %get3A_832 : vector<16xi32>
      tpu.vector_store_idx %arg5[%add3A_839], %broadcast_in_dim3A_33 : memref<32768xf32, #tpu.memory_space<vmem>>[vector<16xi32>], vector<16xf32>,
      %add3A_840 = arith.constant 10 : i32
      %add3A_841 = arith.addi %add3A_52, %add3A_840 : i32
      %mul3A_842 = arith.constant 8 : i32
      %mul3A_843 = arith.muli %add3A_841, %mul3A_842 : i32
      %get3A_844 = arith.index_cast %mul3A_843 : i32 to index
      %get3A_845 = tpu.vector_load %arg4[%get3A_844] {strides = array<i32>} : memref<16384xi32, #tpu.memory_space<vmem>>, vector<16xi32>,
      %add3A_846 = arith.constant 10 : i32
      %add3A_847 = vector.broadcast %add3A_846 : i32 to vector<16xi32>
      %add3A_848 = arith.addi %add3A_847, %convert_element_type3A : vector<16xi32>
      %mul3A_849 = arith.constant 2048 : i32
      %mul3A_850 = vector.broadcast %mul3A_849 : i32 to vector<16xi32>
      %mul3A_851 = arith.muli %add3A_848, %mul3A_850 : vector<16xi32>
      %add3A_852 = arith.addi %mul3A_851, %get3A_845 : vector<16xi32>
      tpu.vector_store_idx %arg5[%add3A_852], %broadcast_in_dim3A_33 : memref<32768xf32, #tpu.memory_space<vmem>>[vector<16xi32>], vector<16xf32>,
      %add3A_853 = arith.constant 12 : i32
      %add3A_854 = arith.addi %add3A_52, %add3A_853 : i32
      %mul3A_855 = arith.constant 8 : i32
      %mul3A_856 = arith.muli %add3A_854, %mul3A_855 : i32
      %get3A_857 = arith.index_cast %mul3A_856 : i32 to index
      %get3A_858 = tpu.vector_load %arg4[%get3A_857] {strides = array<i32>} : memref<16384xi32, #tpu.memory_space<vmem>>, vector<16xi32>,
      %add3A_859 = arith.constant 12 : i32
      %add3A_860 = vector.broadcast %add3A_859 : i32 to vector<16xi32>
      %add3A_861 = arith.addi %add3A_860, %convert_element_type3A : vector<16xi32>
      %mul3A_862 = arith.constant 2048 : i32
      %mul3A_863 = vector.broadcast %mul3A_862 : i32 to vector<16xi32>
      %mul3A_864 = arith.muli %add3A_861, %mul3A_863 : vector<16xi32>
      %add3A_865 = arith.addi %mul3A_864, %get3A_858 : vector<16xi32>
      tpu.vector_store_idx %arg5[%add3A_865], %broadcast_in_dim3A_33 : memref<32768xf32, #tpu.memory_space<vmem>>[vector<16xi32>], vector<16xf32>,
      %add3A_866 = arith.constant 14 : i32
      %add3A_867 = arith.addi %add3A_52, %add3A_866 : i32
      %mul3A_868 = arith.constant 8 : i32
      %mul3A_869 = arith.muli %add3A_867, %mul3A_868 : i32
      %get3A_870 = arith.index_cast %mul3A_869 : i32 to index
      %get3A_871 = tpu.vector_load %arg4[%get3A_870] {strides = array<i32>} : memref<16384xi32, #tpu.memory_space<vmem>>, vector<16xi32>,
      %add3A_872 = arith.constant 14 : i32
      %add3A_873 = vector.broadcast %add3A_872 : i32 to vector<16xi32>
      %add3A_874 = arith.addi %add3A_873, %convert_element_type3A : vector<16xi32>
      %mul3A_875 = arith.constant 2048 : i32
      %mul3A_876 = vector.broadcast %mul3A_875 : i32 to vector<16xi32>
      %mul3A_877 = arith.muli %add3A_874, %mul3A_876 : vector<16xi32>
      %add3A_878 = arith.addi %mul3A_877, %get3A_871 : vector<16xi32>
      tpu.vector_store_idx %arg5[%add3A_878], %broadcast_in_dim3A_33 : memref<32768xf32, #tpu.memory_space<vmem>>[vector<16xi32>], vector<16xf32>,
    }
    %scan3A_48 = arith.constant 16 : i32
    return
  }
}

module attributes {stable_mosaic.version = 14 : i64} {
  func.func @_topk_body(%arg0: i32, %arg1: i32, %arg2: memref<1x512x128xf32, #tpu.memory_space<vmem>>, %arg3: memref<1x2048x128xf32, #tpu.memory_space<vmem>>, %arg4: memref<1x512x8xi32, #tpu.memory_space<vmem>>) attributes {dimension_semantics = [#tpu.dimension_semantics<arbitrary>, #tpu.dimension_semantics<arbitrary>], iteration_bounds = array<i64: 4, 4>, scalar_prefetch = 0 : i64, scratch_operands = 0 : i64, tpu.core_type = #tpu.core_type<tc>, window_params = [{transform_indices = @transform_0, window_bounds = array<i64: 1, 512, 128>}, {transform_indices = @transform_1, window_bounds = array<i64: 1, 2048, 128>}, {transform_indices = @transform_2, window_bounds = array<i64: 1, 512, 8>}]} {
    %get3A = arith.constant 0 : index
    %get3A_0 = arith.constant 0 : index
    %get3A_1 = arith.constant 0 : index
    %get3A_2 = vector.load %arg2[%get3A, %get3A_0, %get3A_1] : memref<1x512x128xf32, #tpu.memory_space<vmem>>, vector<1x512x128xf32>
    %get3A_3 = vector.shape_cast %get3A_2 : vector<1x512x128xf32> to vector<512x128xf32>
    %convert_element_type3A = arith.truncf %get3A_3 : vector<512x128xf32> to vector<512x128xbf16>
    %get3A_4 = arith.constant 0 : index
    %get3A_5 = arith.constant 0 : index
    %get3A_6 = arith.constant 0 : index
    %get3A_7 = vector.load %arg3[%get3A_4, %get3A_5, %get3A_6] : memref<1x2048x128xf32, #tpu.memory_space<vmem>>, vector<1x2048x128xf32>
    %get3A_8 = vector.shape_cast %get3A_7 : vector<1x2048x128xf32> to vector<2048x128xf32>
    %convert_element_type3A_9 = arith.truncf %get3A_8 : vector<2048x128xf32> to vector<2048x128xbf16>
    %dot_general3A = arith.constant dense<0.000000e+00> : vector<512x2048xf32>
    %dot_general3A_10 = tpu.matmul %convert_element_type3A, %convert_element_type3A_9, %dot_general3A {dimension_numbers = #tpu.dot_dimension_numbers<[1], [1], [0], [0], [0, 0, 1, 0], [], []>, transpose_lhs_hint = false} : vector<512x128xbf16>, vector<2048x128xbf16>, vector<512x2048xf32> -> vector<512x2048xf32>
    %iota3A = tpu.iota {dimensions = array<i32: 1>} : vector<512x2048xi32>
    %iota3A_11 = tpu.iota {dimensions = array<i32: 0>} : vector<512x2048xi32>
    %mul3A = arith.constant 512 : i32
    %mul3A_12 = arith.muli %arg1, %mul3A : i32
    %add3A = vector.broadcast %mul3A_12 : i32 to vector<512x2048xi32>
    %add3A_13 = arith.addi %iota3A_11, %add3A : vector<512x2048xi32>
    %eq3A = arith.cmpi eq, %iota3A, %add3A_13 : vector<512x2048xi32>
    %jit3A = arith.constant -1.000000e+30 : f32
    %broadcast_in_dim3A = vector.broadcast %jit3A : f32 to vector<512x2048xf32>
    %select_n3A = arith.select %eq3A, %broadcast_in_dim3A, %dot_general3A_10 : vector<512x2048xi1>, vector<512x2048xf32>
    %argmax3A = tpu.reduce_index %select_n3A {axis = 1 : i32, kind = #tpu.reduction_kind<arg_max>} : vector<512x2048xf32> -> vector<512xi32>
    %broadcast_in_dim3A_14 = vector.shape_cast %argmax3A : vector<512xi32> to vector<512x1xi32>
    %eq3A_15 = vector.broadcast %broadcast_in_dim3A_14 : vector<512x1xi32> to vector<512x2048xi32>
    %eq3A_16 = arith.cmpi eq, %iota3A, %eq3A_15 : vector<512x2048xi32>
    %jit3A_17 = arith.constant -1.000000e+30 : f32
    %broadcast_in_dim3A_18 = vector.broadcast %jit3A_17 : f32 to vector<512x2048xf32>
    %select_n3A_19 = arith.select %eq3A_16, %broadcast_in_dim3A_18, %select_n3A : vector<512x2048xi1>, vector<512x2048xf32>
    %argmax3A_20 = tpu.reduce_index %select_n3A_19 {axis = 1 : i32, kind = #tpu.reduction_kind<arg_max>} : vector<512x2048xf32> -> vector<512xi32>
    %broadcast_in_dim3A_21 = vector.shape_cast %argmax3A_20 : vector<512xi32> to vector<512x1xi32>
    %eq3A_22 = vector.broadcast %broadcast_in_dim3A_21 : vector<512x1xi32> to vector<512x2048xi32>
    %eq3A_23 = arith.cmpi eq, %iota3A, %eq3A_22 : vector<512x2048xi32>
    %jit3A_24 = arith.constant -1.000000e+30 : f32
    %broadcast_in_dim3A_25 = vector.broadcast %jit3A_24 : f32 to vector<512x2048xf32>
    %select_n3A_26 = arith.select %eq3A_23, %broadcast_in_dim3A_25, %select_n3A_19 : vector<512x2048xi1>, vector<512x2048xf32>
    %argmax3A_27 = tpu.reduce_index %select_n3A_26 {axis = 1 : i32, kind = #tpu.reduction_kind<arg_max>} : vector<512x2048xf32> -> vector<512xi32>
    %broadcast_in_dim3A_28 = vector.shape_cast %argmax3A_27 : vector<512xi32> to vector<512x1xi32>
    %eq3A_29 = vector.broadcast %broadcast_in_dim3A_28 : vector<512x1xi32> to vector<512x2048xi32>
    %eq3A_30 = arith.cmpi eq, %iota3A, %eq3A_29 : vector<512x2048xi32>
    %jit3A_31 = arith.constant -1.000000e+30 : f32
    %broadcast_in_dim3A_32 = vector.broadcast %jit3A_31 : f32 to vector<512x2048xf32>
    %select_n3A_33 = arith.select %eq3A_30, %broadcast_in_dim3A_32, %select_n3A_26 : vector<512x2048xi1>, vector<512x2048xf32>
    %argmax3A_34 = tpu.reduce_index %select_n3A_33 {axis = 1 : i32, kind = #tpu.reduction_kind<arg_max>} : vector<512x2048xf32> -> vector<512xi32>
    %broadcast_in_dim3A_35 = vector.shape_cast %argmax3A_34 : vector<512xi32> to vector<512x1xi32>
    %eq3A_36 = vector.broadcast %broadcast_in_dim3A_35 : vector<512x1xi32> to vector<512x2048xi32>
    %eq3A_37 = arith.cmpi eq, %iota3A, %eq3A_36 : vector<512x2048xi32>
    %jit3A_38 = arith.constant -1.000000e+30 : f32
    %broadcast_in_dim3A_39 = vector.broadcast %jit3A_38 : f32 to vector<512x2048xf32>
    %select_n3A_40 = arith.select %eq3A_37, %broadcast_in_dim3A_39, %select_n3A_33 : vector<512x2048xi1>, vector<512x2048xf32>
    %argmax3A_41 = tpu.reduce_index %select_n3A_40 {axis = 1 : i32, kind = #tpu.reduction_kind<arg_max>} : vector<512x2048xf32> -> vector<512xi32>
    %broadcast_in_dim3A_42 = vector.shape_cast %argmax3A_41 : vector<512xi32> to vector<512x1xi32>
    %eq3A_43 = vector.broadcast %broadcast_in_dim3A_42 : vector<512x1xi32> to vector<512x2048xi32>
    %eq3A_44 = arith.cmpi eq, %iota3A, %eq3A_43 : vector<512x2048xi32>
    %jit3A_45 = arith.constant -1.000000e+30 : f32
    %broadcast_in_dim3A_46 = vector.broadcast %jit3A_45 : f32 to vector<512x2048xf32>
    %select_n3A_47 = arith.select %eq3A_44, %broadcast_in_dim3A_46, %select_n3A_40 : vector<512x2048xi1>, vector<512x2048xf32>
    %argmax3A_48 = tpu.reduce_index %select_n3A_47 {axis = 1 : i32, kind = #tpu.reduction_kind<arg_max>} : vector<512x2048xf32> -> vector<512xi32>
    %broadcast_in_dim3A_49 = vector.shape_cast %argmax3A_48 : vector<512xi32> to vector<512x1xi32>
    %eq3A_50 = vector.broadcast %broadcast_in_dim3A_49 : vector<512x1xi32> to vector<512x2048xi32>
    %eq3A_51 = arith.cmpi eq, %iota3A, %eq3A_50 : vector<512x2048xi32>
    %jit3A_52 = arith.constant -1.000000e+30 : f32
    %broadcast_in_dim3A_53 = vector.broadcast %jit3A_52 : f32 to vector<512x2048xf32>
    %select_n3A_54 = arith.select %eq3A_51, %broadcast_in_dim3A_53, %select_n3A_47 : vector<512x2048xi1>, vector<512x2048xf32>
    %argmax3A_55 = tpu.reduce_index %select_n3A_54 {axis = 1 : i32, kind = #tpu.reduction_kind<arg_max>} : vector<512x2048xf32> -> vector<512xi32>
    %broadcast_in_dim3A_56 = vector.shape_cast %argmax3A_55 : vector<512xi32> to vector<512x1xi32>
    %eq3A_57 = vector.broadcast %broadcast_in_dim3A_56 : vector<512x1xi32> to vector<512x2048xi32>
    %eq3A_58 = arith.cmpi eq, %iota3A, %eq3A_57 : vector<512x2048xi32>
    %jit3A_59 = arith.constant -1.000000e+30 : f32
    %broadcast_in_dim3A_60 = vector.broadcast %jit3A_59 : f32 to vector<512x2048xf32>
    %select_n3A_61 = arith.select %eq3A_58, %broadcast_in_dim3A_60, %select_n3A_54 : vector<512x2048xi1>, vector<512x2048xf32>
    %argmax3A_62 = tpu.reduce_index %select_n3A_61 {axis = 1 : i32, kind = #tpu.reduction_kind<arg_max>} : vector<512x2048xf32> -> vector<512xi32>
    %broadcast_in_dim3A_63 = vector.shape_cast %argmax3A_62 : vector<512xi32> to vector<512x1xi32>
    %concatenate3A = tpu.concatenate %broadcast_in_dim3A_14, %broadcast_in_dim3A_21, %broadcast_in_dim3A_28, %broadcast_in_dim3A_35, %broadcast_in_dim3A_42, %broadcast_in_dim3A_49, %broadcast_in_dim3A_56, %broadcast_in_dim3A_63 in 1 : vector<512x1xi32>, vector<512x1xi32>, vector<512x1xi32>, vector<512x1xi32>, vector<512x1xi32>, vector<512x1xi32>, vector<512x1xi32>, vector<512x1xi32> -> vector<512x8xi32>
    %swap3A = arith.constant 0 : index
    %swap3A_64 = arith.constant 0 : index
    %swap3A_65 = arith.constant 0 : index
    %swap3A_66 = vector.load %arg4[%swap3A, %swap3A_64, %swap3A_65] : memref<1x512x8xi32, #tpu.memory_space<vmem>>, vector<1x512x8xi32>
    %swap3A_67 = vector.shape_cast %swap3A_66 : vector<1x512x8xi32> to vector<512x8xi32>
    %swap3A_68 = vector.shape_cast %concatenate3A : vector<512x8xi32> to vector<1x512x8xi32>
    tpu.vector_store %arg4[%swap3A, %swap3A_64, %swap3A_65], %swap3A_68 {strides = array<i32>} : memref<1x512x8xi32, #tpu.memory_space<vmem>>, vector<1x512x8xi32>,
    return
  }
  func.func @transform_0(%arg0: i32, %arg1: i32) -> (i32, i32, i32) {
    %c0_i32 = arith.constant 0 : i32
    %c0_i32_0 = arith.constant 0 : i32
    return %arg0, %arg1, %c0_i32 : i32, i32, i32
  }
  func.func @transform_1(%arg0: i32, %arg1: i32) -> (i32, i32, i32) {
    %c0_i32 = arith.constant 0 : i32
    %c0_i32_0 = arith.constant 0 : i32
    %c0_i32_1 = arith.constant 0 : i32
    return %arg0, %c0_i32, %c0_i32_0 : i32, i32, i32
  }
  func.func @transform_2(%arg0: i32, %arg1: i32) -> (i32, i32, i32) {
    %c0_i32 = arith.constant 0 : i32
    %c0_i32_0 = arith.constant 0 : i32
    return %arg0, %arg1, %c0_i32 : i32, i32, i32
  }
}

</mosaic_0001>

<sc_bundles>
// kernel: kernel.4.cloned.1.call-start
scs
__scs_entry_jumppad:
0x0: {  	(pc) =	sbr.rel $0x88, $3  }
0x1: {  	(tag) =	ssettag $0x0;
	lr =	simm.s32 $0x1  }
0x2: {  	[smem:$0x3FA0] =	sst lr;
	_ =	strace $0xD0000000  }
0x3: {  	_ = 	snop  }
0x4: {  	_ = 	snop  }
0x5: {  	_ = 	snop  }
0x6: {  	_ = 	snop  }
0x7: {  	_ = 	snop  }
__scs_overlays_trampoline_lowered:
0x8: {  	[smem:$0x3FAF] =	sst s0  }
0x9: {  	[smem:$0x3FB0] =	sst s1  }
0xa: {  	[smem:$0x3FB1] =	sst s2  }
0xb: {  	[smem:$0x3FB2] =	sst s3  }
0xc: {  	[smem:$0x3FB3] =	sst s4  }
0xd: {  	[smem:$0x3FB4] =	sst s5  }
0xe: {  	[smem:$0x3FB5] =	sst s6  }
0xf: {  	[smem:$0x3FB6] =	sst s7  }
0x10: {  	[smem:$0x3FB7] =	sst s8  }
0x11: {  	[smem:$0x3FB8] =	sst s9;
	s0 =	simm.s32 @!p0 $0x0  }
0x12: {  	s1 =	sld [smem:$0x3F9E];
	s0 =	simm.s32 @p0 $0x1  }
0x13: {  	[smem:$0x3FB9] =	sst s0;
	s0 =	simm.s32 @!p1 $0x0  }
0x14: {  	s2 =	sld [smem:$0x3F9D];
	s0 =	simm.s32 @p1 $0x1  }
0x15: {  	[smem:$0x3FBA] =	sst s0;
	s0 =	simm.s32 @!p2 $0x0  }
0x16: {  	s3 =	sld [smem:$0x3FDB];
	s0 =	simm.s32 @p2 $0x1  }
0x17: {  	s4 =	simm.s32 $0x1BF5;
	[smem:$0x3FBC] =	sst s0  }
0x18: {  	s0 =	sld [smem:$0x3F9F];
	_ =	swait.ge [sflag:s4], $0x0  }
0x19: {  	s7 =	sld [smem:$0x3FA0]  }
0x1a: {  	s8 =	sadd.s32 $0xFFFFE003, lr  }
0x1b: {  	s9 =	sadd.s32 $0xFFFFFEF7, lr;
	s5 =	simm.s32 $0xFFFFFFFF;
	p2 =	slt.u32 s8, $0xFFFFF086  }
0x1c: {  	p1 =	slt.u32 s9, $0xF7A;
	s5 =	simm.s32 @!p2 $0x0  }
0x1d: {  	s5 =	simm.s32 @p1 $0x1;
	p0 =	seq.s32 s7, s2  }
0x1e: {  	s7 =	smul.u32 @!p0 $0xF7A, s2;
	p2 =	seq.s32 @!p0 s5, $0x0  }
0x1f: {  	s9 =	smul.u32 $0xF7A, s1;
	s8 =	simm.s32 @!p0 $0x1BF5;
	p2 =	por !p2, p0  }
0x20: {  	[sflag:s8] =	ssyncset.s32 @!p0 $0xFFFFF086;
	s6 =	sadd.s32 @!p0 s3, s7;
	s7 =	simm.s32 @!p0 $0x108  }
0x21: {  	s3 =	sadd.s32 s3, s9;
	s6 =	sadd.s32 @!p0 $0x88, s6;
	s7 =	simm.s32 @p2 $0x1082  }
0x22: {  	[simem:s7], [sflag:s8] =	dma.local @!p0 [hbm:s6], $0xF7A  }
0x23: {  	s9 =	sor.u32 $0xD0000000, s2;
	s6 =	simm.s32 $0x108;
	_ =	swait.ge @!p0 [sflag:s8], $0x0  }
0x24: {  	s3 =	sadd.s32 $0x88, s3;
	s6 =	simm.s32 @!p1 $0x1082;
	[sflag:s4] =	ssyncset.s32 $0xFFFFF086  }
0x25: {  	[simem:s6], [sflag:s4] =	dma.local [hbm:s3], $0xF7A  }
0x26: {  	[smem:$0x3FA0] =	sst s1;
	(tag) =	ssettag s2;
	_ =	strace s9  }
0x27: {  	s1 =	sld [smem:$0x3FB0]  }
0x28: {  	s2 =	sld [smem:$0x3FB1]  }
0x29: {  	s4 =	sld [smem:$0x3FB3]  }
0x2a: {  	p0 =	seq.s32 s5, $0x0;
	s5 =	sld [smem:$0x3FB4]  }
0x2b: {  	s6 =	sld [smem:$0x3FB5]  }
0x2c: {  	s7 =	sld [smem:$0x3FB6]  }
0x2d: {  	s3 =	simm.s32 $0x108;
	s8 =	sld [smem:$0x3FB7]  }
0x2e: {  	s3 =	simm.s32 @!p0 $0x1082;
	s9 =	sld [smem:$0x3FB8]  }
0x2f: {  	lr =	sadd.s32 s0, s3;
	s0 =	sld [smem:$0x3FAF]  }
0x30: {  	s3 =	sld [smem:$0x3FB2]  }
0x31: {  	[smem:$0x3FBB] =	sst s10  }
0x32: {  	s10 =	sld [smem:$0x3FB9];
	_ =	sdelay $0x3  }
0x33: {  	p0 =	seq.s32 s10, $0x1;
	s10 =	sld [smem:$0x3FBB];
	_ =	sdelay $0x3  }
0x34: {  	[smem:$0x3FBB] =	sst s10  }
0x35: {  	s10 =	sld [smem:$0x3FBA];
	_ =	sdelay $0x3  }
0x36: {  	p1 =	seq.s32 s10, $0x1;
	s10 =	sld [smem:$0x3FBB];
	_ =	sdelay $0x3  }
0x37: {  	[smem:$0x3FBB] =	sst s10  }
0x38: {  	s10 =	sld [smem:$0x3FBC]  }
0x39: {  	_ = 	snop;
	(pc) =	sbr.ind lr, $3  }
0x3a: {  	_ = 	snop  }
0x3b: {  	_ = 	snop  }
0x3c: {  	p2 =	seq.s32 s10, $0x1;
	s10 =	sld [smem:$0x3FBB]  }
0x3d: {  	_ =	shalt  }
0x3e: {  	_ =	shalt  }
0x3f: {  	_ =	shalt  }
0x40: {  	_ =	shalt  }
0x41: {  	_ =	shalt  }
0x42: {  	_ =	shalt  }
0x43: {  	_ =	shalt  }
0x44: {  	_ =	shalt  }
0x45: {  	_ =	shalt  }
0x46: {  	_ =	shalt  }
0x47: {  	_ =	shalt  }
0x48: {  	_ =	shalt  }
0x49: {  	_ =	shalt  }
0x4a: {  	_ =	shalt  }
0x4b: {  	_ =	shalt  }
0x4c: {  	_ =	shalt  }
0x4d: {  	_ =	shalt  }
0x4e: {  	_ =	shalt  }
0x4f: {  	_ =	shalt  }
0x50: {  	_ =	shalt  }
0x51: {  	_ =	shalt  }
0x52: {  	_ =	shalt  }
0x53: {  	_ =	shalt  }
0x54: {  	_ =	shalt  }
0x55: {  	_ =	shalt  }
0x56: {  	_ =	shalt  }
0x57: {  	_ =	shalt  }
0x58: {  	_ =	shalt  }
0x59: {  	_ =	shalt  }
0x5a: {  	_ =	shalt  }
0x5b: {  	_ =	shalt  }
0x5c: {  	_ =	shalt  }
0x5d: {  	_ =	shalt  }
0x5e: {  	_ =	shalt  }
0x5f: {  	_ =	shalt  }
0x60: {  	_ =	shalt  }
0x61: {  	_ =	shalt  }
0x62: {  	_ =	shalt  }
0x63: {  	_ =	shalt  }
0x64: {  	_ =	shalt  }
0x65: {  	_ =	shalt  }
0x66: {  	_ =	shalt  }
0x67: {  	_ =	shalt  }
0x68: {  	_ =	shalt  }
0x69: {  	_ =	shalt  }
0x6a: {  	_ =	shalt  }
0x6b: {  	_ =	shalt  }
0x6c: {  	_ =	shalt  }
0x6d: {  	_ =	shalt  }
0x6e: {  	_ =	shalt  }
0x6f: {  	_ =	shalt  }
0x70: {  	_ =	shalt  }
0x71: {  	_ =	shalt  }
0x72: {  	_ =	shalt  }
0x73: {  	_ =	shalt  }
0x74: {  	_ =	shalt  }
0x75: {  	_ =	shalt  }
0x76: {  	_ =	shalt  }
0x77: {  	_ =	shalt  }
0x78: {  	_ =	shalt  }
0x79: {  	_ =	shalt  }
0x7a: {  	_ =	shalt  }
0x7b: {  	_ =	shalt  }
0x7c: {  	_ =	shalt  }
0x7d: {  	_ =	shalt  }
0x7e: {  	_ =	shalt  }
0x7f: {  	_ =	shalt  }
0x80: {  	_ =	shalt  }
0x81: {  	_ =	shalt  }
0x82: {  	_ =	shalt  }
0x83: {  	_ =	shalt  }
0x84: {  	_ =	shalt  }
0x85: {  	_ =	shalt  }
0x86: {  	_ =	shalt  }
0x87: {  	_ =	shalt  }
.Lfunc_end0:
.L_simem_size_0:
called_computation_lowered:
.L_overlay_start_0:
0x88: {  	s2 =	sld [smem:$0x3FD9]  }
0x89: {  	s3 =	sld [smem:$0x3FFE];
	_ =	sdelay $0x1  }
0x8a: {  	s1 =	srdreg.scid  }
0x8b: {  	s0 =	sand.u32 $0x1, s1  }
0x8c: {  	s17 =	sshll.u32 s0, $0xA;
	s2 =	sadd.s32 s3, s2  }
0x8d: {  	s2 =	sadd.s32 s2, s17  }
0x8e: {  	[smem:$0x3FC7] =	sst s2  }
0x8f: {  	_ = 	snop  }
0x90: {  	s2 =	sld [smem:$0x3FD0];
	(tm) =	ssettm $0x1  }
0x91: {  	s18 =	sld [smem:$0x3FFB];
	_ =	sdelay $0x3  }
0x92: {  	_ =	strace s18  }
0x93: {  	s3 =	sld [smem:$0x3FFC];
	_ =	sdelay $0x3  }
0x94: {  	_ =	strace s3  }
0x95: {  	s3 =	sld [smem:$0x3FFD];
	_ =	sdelay $0x3  }
0x96: {  	_ =	strace s3  }
0x97: {  	_ =	strace $0x8FFFFFFF  }
0x98: {  	s19 =	sld [smem:$0x3FDB];
	_ =	sdelay $0x1  }
0x99: {  	s4 =	simm.s32 $_scs_section_size  }
0x9a: {  	s5 =	simm.s32 $_size__tile_overlayer_lowered;
	s6 =	simm.s32 $_tile_overlayer_lowered  }
0x9b: {  	s22 =	simm.s32 $0x1BFF;
	s21 =	sshll.u32 s6, $0x1;
	s3 =	sadd.s32 s4, s19  }
0x9c: {  	s7 =	simm.s32 $0x0;
	s20 =	sshll.u32 s5, $0x1;
	s5 =	sadd.s32 s21, s3  }
0x9d: {  	[timem:s7], [sflag:s22] =	dma.local [hbm:s5], s20  }
0x9e: {  	_ =	swait.ge [sflag:s22], s20  }
0x9f: {  	s4 =	ssub.s32 $0x0, s20;
	[sflag:s22] =	ssyncset.done $0x0  }
0xa0: {  	[sflag:s22] =	ssyncadd.s32 s4;
	_ =	sdelay $0x1  }
0xa1: {  	s23 =	simm.s32 $0x1B8B  }
0xa2: {  	_ =	swait.ge [sflag:s23], $0x1  }
0xa3: {  	[sflag:s23] =	ssyncset.done $0x0  }
0xa4: {  	s25 =	simm.s32 $0x1B8E;
	s24 =	sld [smem:$0x3FFE];
	[sflag:s23] =	ssyncadd.s32 $0xFFFFFFFF  }
0xa5: {  	s26 =	simm.s32 $execute0_lowered;
	[smem:$0x3FD2] =	sst s25  }
0xa6: {  	s5 =	sshll.u32 s26, $0x1;
	_ =	strace $0x80000046;
	[dreg:$0x1] =	wrdreg $0xFFFFFFFF  }
0xa7: {  	s28 =	simm.s32 $_size_execute0_lowered;
	s3 =	sadd.s32 s3, s5;
	[dreg:$0x0] =	wrdreg $0x0  }
0xa8: {  	s5 =	sshll.u32 s28, $0x1;
	[dreg:$0x2] =	wrdreg s3  }
0xa9: {  	[dreg:$0x3] =	wrdreg s5  }
0xaa: {  	[dreg:$0x4] =	wrdreg $0xC0  }
0xab: {  	_ =	task [dreg:s7], $0x5FFFF  }
0xac: {  	[dreg:$0x1] =	wrdreg $0xFFFFFFFF  }
0xad: {  	[dreg:$0x0] =	wrdreg $0x60  }
0xae: {  	[dreg:$0x2] =	wrdreg s2  }
0xaf: {  	[dreg:$0x3] =	wrdreg s24  }
0xb0: {  	[dreg:$0x4] =	wrdreg $0x9  }
0xb1: {  	_ =	task.clear_ibuf [dreg:s7], $0x5FFFF;
	_ =	strace $0x90000046  }
0xb2: {  	s29 =	simm.s32 $0x9;
	_ =	strace $0x80000048  }
0xb3: {  	_ =	swait.ge [sflag:s29], $0x1  }
0xb4: {  	[sflag:s29] =	ssyncadd.s32 $0xFFFFFFFF  }
0xb5: {  	_ =	strace $0x90000048  }
0xb6: {  	_ =	sfence  }
0xb7: {  	s30 =	sld [smem:$0x0];
	_ =	sdelay $0x2  }
0xb8: {  	s31 =	sshll.u32 s1, $0xD;
	s1 =	sshrl.u32 s1, $0x2  }
0xb9: {  	s3 =	sand.u32 $0x4000, s31;
	s1 =	sadd.s32 s1, s30  }
0xba: {  	s0 =	sor.u32 s3, s0;
	s1 =	sshll.u32 s1, $0x11  }
0xbb: {  	s0 =	sor.u32 s1, s0  }
0xbc: {  	s0 =	sadd.s32 $0x8F2B, s0  }
0xbd: {  	[sflag:s0] =	ssyncadd.remote.s32 $0x1  }
0xbe: {  	_ =	sfence.sel $0xFFFF  }
0xbf: {  	[dreg:$0x0] =	wrdreg $0xFFFFFFFF;
	(pc) =	sbr.abs _section_cstart, $3  }
0xc0: {  	[dreg:$0x1] =	wrdreg $0xFFFFFFFF  }
0xc1: {  	_ =	task.clear_ibuf [dreg:s7], $0x2FFFF;
	_ =	strace $0x9FFFFFFF  }
0xc2: {  	(tm) =	ssettm $0x7FFFFFFF  }
0xc3: {  	_ =	shalt  }
tec
execute0_lowered:
.L_overlay_start_1:
0x0: {  	(tag) =	ssettag $0x1  }
0x1: {  	s3 =	rddreg [dreg:$0x0]  }
0x2: {  	s4 =	rddreg [dreg:$0x1]  }
0x3: {  	s0 =	rddreg [dreg:$0x2];
	s1 =	stileid.u32  }
0x4: {  	s2 =	simm.s32 $0x0;
	s6 =	srdreg.scid;
	s10 =	simm.s32 $0x1  }
0x5: {  	s11 =	simm.s32 $0x4000;
	s12 =	simm.s32 $0x0;
	s5 =	sshrl.u32 s1, $0x2  }
0x6: {  	[smem:$0x7FF] =	sst s2;
	s6 =	sand.u32 $0x1, s6;
	s9 =	sand.u32 $0x3, s1  }
0x7: {  	s7 =	sshll.u32 s5, $0x13;
	_ =	strace $0x80000047;
	s26 =	ssub.s32 $0x2, s6  }
0x8: {  	v0 =	vlaneseq.u32;
	s5 =	sshll.u32 s5, $0x4;
	s28 =	sshll.u32 s9, $0x11;
	s29 =	sshll.u32 s6, $0x10  }
0x9: {  	v0 =	vshrl.u32 v0, $0x3;
	s30 =	sshll.u32 s9, $0xE;
	s31 =	sshll.u32 s6, $0xD;
	s9 =	sshll.u32 s9, $0x9  }
0xa: {  	v1 =	vmul.u32 $0x800, v0;
	s6 =	sshll.u32 s6, $0x8;
	s7 =	sadd.s32 s7, s4;
	s8 =	sshrl.u32 s26, $0x1  }
0xb: {  	s3 =	sadd.s32 s3, s5;
	s6 =	sor.u32 s6, s9;
	s9 =	simm.s32 $0x200  }
0xc: {  	v2 =	vimm.f32 $0.0e+00;
	v3 =	vimm.f32 $1.000000000e+00;
	s4 =	ssub.s32 s26, s8;
	s5 =	sadd.s32 s28, s7;
	s7 =	sor.u32 s31, s30;
	v4 =	vor.u32 $0x1000, v1  }
0xd: {  	s8 =	simm.s32 $0x80;
	v5 =	vor.u32 $0x2000, v1;
	v6 =	vor.u32 $0x3000, v1;
	v7 =	vor.u32 $0x4000, v1;
	s5 =	sadd.s32 s29, s5;
	s7 =	sor.u32 $0x100, s7  }
0xe: {  	v8 =	vor.u32 $0x5000, v1;
	v9 =	vor.u32 $0x6000, v1;
	v10 =	vor.u32 $0x7000, v1;
	s4 =	smax.u32 s4, $0x1;
	s5 =	sadd.s32 $0x200, s5;
	s7 =	sshrl.u32 s7, $0x2  }
.LBB2_1:
0xf: {  	[tilespmem:s2], [sflag:$0x1] =	stream.strided.gather [hbm4b:s3+s8], $0x4000, s9, s8, $0x38;
	[tilespmem:$0xC000] =	vst v63  }
0x10: {  	_ =	swait.ge [sflag:s10], $0x4000  }
0x11: {  	[sflag:s10] =	ssyncset.done $0x0  }
0x12: {  	s13 =	simm.s32 $0x0;
	[sflag:s10] =	ssyncadd.s32 $0xFFFFC000  }
.LBB2_2:
0x13: {  	p0 =	sne.s32 s13, $0x1FFC0  }
.Ltmp0:
0x14: {  	_ = 	snop;
	(pc) =	sbr.rel @p0 .LBB2_2-.Ltmp0, $3  }
0x15: {  	_ =	sdelay $0x1  }
0x16: {  	s14 =	sshra.s32 s13, $0x2  }
0x17: {  	s13 =	sadd.s32 $0x40, s13;
	[tilespmem:s14+$0x4000] =	vst v2  }
0x18: {  	s13 =	simm.s32 $0x0;
	s14 =	smov.u32 s7;
	s15 =	smov.u32 s5  }
.LBB2_4:
0x19: {  	v11 =	vld [tilespmem:s14+$0xFFFFFFC0];
	_ =	sdelay $0x4  }
0x1a: {  	v12 =	vshll.u32 v11, $0x3  }
0x1b: {  	v13 =	vor.u32 $0x1, v12  }
0x1c: {  	v14 =	vor.u32 $0x2, v12  }
0x1d: {  	v15 =	vor.u32 $0x3, v12  }
0x1e: {  	v16 =	vor.u32 $0x4, v12  }
0x1f: {  	v18 =	vor.u32 $0x5, v12;
	v17 =	vld.idx.msk [tilespmem:v12+s2+$0x0], $0xffff  }
0x20: {  	v19 =	vor.u32 $0x6, v12;
	v13 =	vld.idx.msk [tilespmem:v13+s2+$0x0], $0xffff  }
0x21: {  	v12 =	vor.u32 $0x7, v12;
	v14 =	vld.idx.msk [tilespmem:v14+s2+$0x0], $0xffff  }
0x22: {  	v15 =	vld.idx.msk [tilespmem:v15+s2+$0x0], $0xffff  }
0x23: {  	s16 =	sadd.s32 s13, s6;
	v16 =	vld.idx.msk [tilespmem:v16+s2+$0x0], $0xffff  }
0x24: {  	v20 =	vor.u32 s16, v0;
	v18 =	vld.idx.msk [tilespmem:v18+s2+$0x0], $0xffff  }
0x25: {  	v34 =	vld.idx.msk [tilespmem:v19+s2+$0x0], $0xffff;
	vm0 =	veq.s32 v17, v20;
	vm1 =	veq.s32 v13, v20  }
0x26: {  	v12 =	vld.idx.msk [tilespmem:v12+s2+$0x0], $0xffff;
	vm14 =	veq.s32 v14, v20;
	vm0 =	vmor vm0, vm1  }
0x27: {  	vm15 =	veq.s32 v15, v20;
	vm0 =	vmor vm0, vm14  }
0x28: {  	vm4 =	veq.s32 v16, v20;
	vm0 =	vmor vm0, vm15  }
0x29: {  	vm5 =	veq.s32 v18, v20;
	vm0 =	vmor vm0, vm4  }
0x2a: {  	vm6 =	veq.s32 v34, v20;
	vm0 =	vmor vm0, vm5  }
0x2b: {  	vm7 =	veq.s32 v12, v20;
	vm0 =	vmor vm0, vm6  }
0x2c: {  	vm0 =	vmor vm0, vm7  }
0x2d: {  	v11 =	vadd.s32 v1, v11;
	_ =	sdelay $0x4  }
0x2e: {  	[tilespmem:v11+s11+$0x0] =	vst.idx.msk vm0, v3  }
0x2f: {  	v11 =	vld [tilespmem:s14+$0xFFFFFFD0];
	_ =	sdelay $0x4  }
0x30: {  	v35 =	vshll.u32 v11, $0x3  }
0x31: {  	v36 =	vor.u32 $0x1, v35  }
0x32: {  	v37 =	vor.u32 $0x2, v35  }
0x33: {  	v38 =	vor.u32 $0x3, v35  }
0x34: {  	v39 =	vor.u32 $0x4, v35  }
0x35: {  	v41 =	vor.u32 $0x5, v35;
	v40 =	vld.idx.msk [tilespmem:v35+s2+$0x0], $0xffff  }
0x36: {  	v42 =	vor.u32 $0x6, v35;
	v13 =	vld.idx.msk [tilespmem:v36+s2+$0x0], $0xffff  }
0x37: {  	v12 =	vor.u32 $0x7, v35;
	v14 =	vld.idx.msk [tilespmem:v37+s2+$0x0], $0xffff  }
0x38: {  	v15 =	vld.idx.msk [tilespmem:v38+s2+$0x0], $0xffff  }
0x39: {  	s17 =	sadd.s32 $0x2, s16;
	v16 =	vld.idx.msk [tilespmem:v39+s2+$0x0], $0xffff  }
0x3a: {  	v43 =	vor.u32 s17, v0;
	v18 =	vld.idx.msk [tilespmem:v41+s2+$0x0], $0xffff  }
0x3b: {  	v44 =	vld.idx.msk [tilespmem:v42+s2+$0x0], $0xffff;
	vm8 =	veq.s32 v40, v43;
	vm9 =	veq.s32 v13, v43  }
0x3c: {  	v12 =	vld.idx.msk [tilespmem:v12+s2+$0x0], $0xffff;
	vm10 =	veq.s32 v14, v43;
	vm0 =	vmor vm8, vm9  }
0x3d: {  	vm11 =	veq.s32 v15, v43;
	vm0 =	vmor vm0, vm10  }
0x3e: {  	vm12 =	veq.s32 v16, v43;
	vm0 =	vmor vm0, vm11  }
0x3f: {  	vm13 =	veq.s32 v18, v43;
	vm0 =	vmor vm0, vm12  }
0x40: {  	vm14 =	veq.s32 v44, v43;
	vm0 =	vmor vm0, vm13  }
0x41: {  	vm15 =	veq.s32 v12, v43;
	vm0 =	vmor vm0, vm14  }
0x42: {  	vm0 =	vmor vm0, vm15  }
0x43: {  	v11 =	vadd.s32 v4, v11;
	_ =	sdelay $0x4  }
0x44: {  	[tilespmem:v11+s11+$0x0] =	vst.idx.msk vm0, v3  }
0x45: {  	v11 =	vld [tilespmem:s14+$0xFFFFFFE0];
	_ =	sdelay $0x4  }
0x46: {  	v45 =	vshll.u32 v11, $0x3  }
0x47: {  	v46 =	vor.u32 $0x1, v45  }
0x48: {  	v47 =	vor.u32 $0x2, v45  }
0x49: {  	v48 =	vor.u32 $0x3, v45  }
0x4a: {  	v49 =	vor.u32 $0x4, v45  }
0x4b: {  	v51 =	vor.u32 $0x5, v45;
	v50 =	vld.idx.msk [tilespmem:v45+s2+$0x0], $0xffff  }
0x4c: {  	v52 =	vor.u32 $0x6, v45;
	v13 =	vld.idx.msk [tilespmem:v46+s2+$0x0], $0xffff  }
0x4d: {  	v12 =	vor.u32 $0x7, v45;
	v14 =	vld.idx.msk [tilespmem:v47+s2+$0x0], $0xffff  }
0x4e: {  	v15 =	vld.idx.msk [tilespmem:v48+s2+$0x0], $0xffff  }
0x4f: {  	s26 =	sadd.s32 $0x4, s16;
	v16 =	vld.idx.msk [tilespmem:v49+s2+$0x0], $0xffff  }
0x50: {  	v53 =	vor.u32 s26, v0;
	v18 =	vld.idx.msk [tilespmem:v51+s2+$0x0], $0xffff  }
0x51: {  	v54 =	vld.idx.msk [tilespmem:v52+s2+$0x0], $0xffff;
	vm4 =	veq.s32 v50, v53;
	vm5 =	veq.s32 v13, v53  }
0x52: {  	v12 =	vld.idx.msk [tilespmem:v12+s2+$0x0], $0xffff;
	vm6 =	veq.s32 v14, v53;
	vm0 =	vmor vm4, vm5  }
0x53: {  	vm7 =	veq.s32 v15, v53;
	vm0 =	vmor vm0, vm6  }
0x54: {  	vm8 =	veq.s32 v16, v53;
	vm0 =	vmor vm0, vm7  }
0x55: {  	vm9 =	veq.s32 v18, v53;
	vm0 =	vmor vm0, vm8  }
0x56: {  	vm10 =	veq.s32 v54, v53;
	vm0 =	vmor vm0, vm9  }
0x57: {  	vm11 =	veq.s32 v12, v53;
	vm0 =	vmor vm0, vm10  }
0x58: {  	vm0 =	vmor vm0, vm11  }
0x59: {  	v11 =	vadd.s32 v5, v11;
	_ =	sdelay $0x4  }
0x5a: {  	[tilespmem:v11+s11+$0x0] =	vst.idx.msk vm0, v3  }
0x5b: {  	v11 =	vld [tilespmem:s14+$0xFFFFFFF0];
	_ =	sdelay $0x4  }
0x5c: {  	v55 =	vshll.u32 v11, $0x3  }
0x5d: {  	v56 =	vor.u32 $0x1, v55  }
0x5e: {  	v57 =	vor.u32 $0x2, v55  }
0x5f: {  	v58 =	vor.u32 $0x3, v55  }
0x60: {  	v59 =	vor.u32 $0x4, v55  }
0x61: {  	v61 =	vor.u32 $0x5, v55;
	v60 =	vld.idx.msk [tilespmem:v55+s2+$0x0], $0xffff  }
0x62: {  	v62 =	vor.u32 $0x6, v55;
	v13 =	vld.idx.msk [tilespmem:v56+s2+$0x0], $0xffff  }
0x63: {  	v12 =	vor.u32 $0x7, v55;
	v14 =	vld.idx.msk [tilespmem:v57+s2+$0x0], $0xffff  }
0x64: {  	v15 =	vld.idx.msk [tilespmem:v58+s2+$0x0], $0xffff  }
0x65: {  	s28 =	sadd.s32 $0x6, s16;
	v16 =	vld.idx.msk [tilespmem:v59+s2+$0x0], $0xffff  }
0x66: {  	v63 =	vor.u32 s28, v0;
	v18 =	vld.idx.msk [tilespmem:v61+s2+$0x0], $0xffff  }
0x67: {  	v23 =	vld.idx.msk [tilespmem:v62+s2+$0x0], $0xffff;
	vm12 =	veq.s32 v60, v63;
	vm13 =	veq.s32 v13, v63  }
0x68: {  	v12 =	vld.idx.msk [tilespmem:v12+s2+$0x0], $0xffff;
	vm14 =	veq.s32 v14, v63;
	vm0 =	vmor vm12, vm13  }
0x69: {  	vm15 =	veq.s32 v15, v63;
	vm0 =	vmor vm0, vm14  }
0x6a: {  	vm4 =	veq.s32 v16, v63;
	vm0 =	vmor vm0, vm15  }
0x6b: {  	vm5 =	veq.s32 v18, v63;
	vm0 =	vmor vm0, vm4  }
0x6c: {  	vm6 =	veq.s32 v23, v63;
	vm0 =	vmor vm0, vm5  }
0x6d: {  	vm7 =	veq.s32 v12, v63;
	vm0 =	vmor vm0, vm6  }
0x6e: {  	vm0 =	vmor vm0, vm7  }
0x6f: {  	v11 =	vadd.s32 v6, v11;
	_ =	sdelay $0x4  }
0x70: {  	[tilespmem:v11+s11+$0x0] =	vst.idx.msk vm0, v3  }
0x71: {  	v11 =	vld [tilespmem:s14+$0x0];
	_ =	sdelay $0x4  }
0x72: {  	v24 =	vshll.u32 v11, $0x3  }
0x73: {  	v25 =	vor.u32 $0x1, v24  }
0x74: {  	v26 =	vor.u32 $0x2, v24  }
0x75: {  	v27 =	vor.u32 $0x3, v24  }
0x76: {  	v28 =	vor.u32 $0x4, v24  }
0x77: {  	v30 =	vor.u32 $0x5, v24;
	v29 =	vld.idx.msk [tilespmem:v24+s2+$0x0], $0xffff  }
0x78: {  	v31 =	vor.u32 $0x6, v24;
	v13 =	vld.idx.msk [tilespmem:v25+s2+$0x0], $0xffff  }
0x79: {  	v12 =	vor.u32 $0x7, v24;
	v14 =	vld.idx.msk [tilespmem:v26+s2+$0x0], $0xffff  }
0x7a: {  	v15 =	vld.idx.msk [tilespmem:v27+s2+$0x0], $0xffff  }
0x7b: {  	s29 =	sadd.s32 $0x8, s16;
	v16 =	vld.idx.msk [tilespmem:v28+s2+$0x0], $0xffff  }
0x7c: {  	v32 =	vor.u32 s29, v0;
	v18 =	vld.idx.msk [tilespmem:v30+s2+$0x0], $0xffff  }
0x7d: {  	v33 =	vld.idx.msk [tilespmem:v31+s2+$0x0], $0xffff;
	vm8 =	veq.s32 v29, v32;
	vm9 =	veq.s32 v13, v32  }
0x7e: {  	v12 =	vld.idx.msk [tilespmem:v12+s2+$0x0], $0xffff;
	vm10 =	veq.s32 v14, v32;
	vm0 =	vmor vm8, vm9  }
0x7f: {  	vm11 =	veq.s32 v15, v32;
	vm0 =	vmor vm0, vm10  }
0x80: {  	vm12 =	veq.s32 v16, v32;
	vm0 =	vmor vm0, vm11  }
0x81: {  	vm13 =	veq.s32 v18, v32;
	vm0 =	vmor vm0, vm12  }
0x82: {  	vm14 =	veq.s32 v33, v32;
	vm0 =	vmor vm0, vm13  }
0x83: {  	vm15 =	veq.s32 v12, v32;
	vm0 =	vmor vm0, vm14  }
0x84: {  	vm0 =	vmor vm0, vm15  }
0x85: {  	v11 =	vadd.s32 v7, v11;
	_ =	sdelay $0x4  }
0x86: {  	[tilespmem:v11+s11+$0x0] =	vst.idx.msk vm0, v3  }
0x87: {  	v11 =	vld [tilespmem:s14+$0x10];
	_ =	sdelay $0x4  }
0x88: {  	v34 =	vshll.u32 v11, $0x3  }
0x89: {  	v35 =	vor.u32 $0x1, v34  }
0x8a: {  	v36 =	vor.u32 $0x2, v34  }
0x8b: {  	v37 =	vor.u32 $0x3, v34  }
0x8c: {  	v38 =	vor.u32 $0x4, v34  }
0x8d: {  	v40 =	vor.u32 $0x5, v34;
	v39 =	vld.idx.msk [tilespmem:v34+s2+$0x0], $0xffff  }
0x8e: {  	v41 =	vor.u32 $0x6, v34;
	v13 =	vld.idx.msk [tilespmem:v35+s2+$0x0], $0xffff  }
0x8f: {  	v12 =	vor.u32 $0x7, v34;
	v14 =	vld.idx.msk [tilespmem:v36+s2+$0x0], $0xffff  }
0x90: {  	v15 =	vld.idx.msk [tilespmem:v37+s2+$0x0], $0xffff  }
0x91: {  	s30 =	sadd.s32 $0xA, s16;
	v16 =	vld.idx.msk [tilespmem:v38+s2+$0x0], $0xffff  }
0x92: {  	v42 =	vor.u32 s30, v0;
	v18 =	vld.idx.msk [tilespmem:v40+s2+$0x0], $0xffff  }
0x93: {  	v43 =	vld.idx.msk [tilespmem:v41+s2+$0x0], $0xffff;
	vm4 =	veq.s32 v39, v42;
	vm5 =	veq.s32 v13, v42  }
0x94: {  	v12 =	vld.idx.msk [tilespmem:v12+s2+$0x0], $0xffff;
	vm6 =	veq.s32 v14, v42;
	vm0 =	vmor vm4, vm5  }
0x95: {  	vm7 =	veq.s32 v15, v42;
	vm0 =	vmor vm0, vm6  }
0x96: {  	vm8 =	veq.s32 v16, v42;
	vm0 =	vmor vm0, vm7  }
0x97: {  	vm9 =	veq.s32 v18, v42;
	vm0 =	vmor vm0, vm8  }
0x98: {  	vm10 =	veq.s32 v43, v42;
	vm0 =	vmor vm0, vm9  }
0x99: {  	vm11 =	veq.s32 v12, v42;
	vm0 =	vmor vm0, vm10  }
0x9a: {  	vm0 =	vmor vm0, vm11  }
0x9b: {  	v11 =	vadd.s32 v8, v11;
	_ =	sdelay $0x4  }
0x9c: {  	[tilespmem:v11+s11+$0x0] =	vst.idx.msk vm0, v3  }
0x9d: {  	v11 =	vld [tilespmem:s14+$0x20];
	_ =	sdelay $0x4  }
0x9e: {  	v44 =	vshll.u32 v11, $0x3  }
0x9f: {  	v45 =	vor.u32 $0x1, v44  }
0xa0: {  	v46 =	vor.u32 $0x2, v44  }
0xa1: {  	v47 =	vor.u32 $0x3, v44  }
0xa2: {  	v48 =	vor.u32 $0x4, v44  }
0xa3: {  	v50 =	vor.u32 $0x5, v44;
	v49 =	vld.idx.msk [tilespmem:v44+s2+$0x0], $0xffff  }
0xa4: {  	v51 =	vor.u32 $0x6, v44;
	v13 =	vld.idx.msk [tilespmem:v45+s2+$0x0], $0xffff  }
0xa5: {  	v12 =	vor.u32 $0x7, v44;
	v14 =	vld.idx.msk [tilespmem:v46+s2+$0x0], $0xffff  }
0xa6: {  	v15 =	vld.idx.msk [tilespmem:v47+s2+$0x0], $0xffff  }
0xa7: {  	s31 =	sadd.s32 $0xC, s16;
	v16 =	vld.idx.msk [tilespmem:v48+s2+$0x0], $0xffff  }
0xa8: {  	v52 =	vor.u32 s31, v0;
	v18 =	vld.idx.msk [tilespmem:v50+s2+$0x0], $0xffff  }
0xa9: {  	v53 =	vld.idx.msk [tilespmem:v51+s2+$0x0], $0xffff;
	vm12 =	veq.s32 v49, v52;
	vm13 =	veq.s32 v13, v52  }
0xaa: {  	v12 =	vld.idx.msk [tilespmem:v12+s2+$0x0], $0xffff;
	vm14 =	veq.s32 v14, v52;
	vm0 =	vmor vm12, vm13  }
0xab: {  	vm15 =	veq.s32 v15, v52;
	vm0 =	vmor vm0, vm14  }
0xac: {  	vm4 =	veq.s32 v16, v52;
	vm0 =	vmor vm0, vm15  }
0xad: {  	vm5 =	veq.s32 v18, v52;
	vm0 =	vmor vm0, vm4  }
0xae: {  	vm6 =	veq.s32 v53, v52;
	vm0 =	vmor vm0, vm5  }
0xaf: {  	vm7 =	veq.s32 v12, v52;
	vm0 =	vmor vm0, vm6  }
0xb0: {  	vm0 =	vmor vm0, vm7  }
0xb1: {  	v11 =	vadd.s32 v9, v11;
	_ =	sdelay $0x4  }
0xb2: {  	[tilespmem:v11+s11+$0x0] =	vst.idx.msk vm0, v3  }
0xb3: {  	v11 =	vld [tilespmem:s14+$0x30];
	_ =	sdelay $0x4  }
0xb4: {  	v54 =	vshll.u32 v11, $0x3  }
0xb5: {  	v55 =	vor.u32 $0x1, v54  }
0xb6: {  	v56 =	vor.u32 $0x2, v54  }
0xb7: {  	v57 =	vor.u32 $0x3, v54  }
0xb8: {  	v58 =	vor.u32 $0x4, v54  }
0xb9: {  	v60 =	vor.u32 $0x5, v54;
	v59 =	vld.idx.msk [tilespmem:v54+s2+$0x0], $0xffff  }
0xba: {  	v61 =	vor.u32 $0x6, v54;
	v13 =	vld.idx.msk [tilespmem:v55+s2+$0x0], $0xffff  }
0xbb: {  	v12 =	vor.u32 $0x7, v54;
	v14 =	vld.idx.msk [tilespmem:v56+s2+$0x0], $0xffff  }
0xbc: {  	v15 =	vld.idx.msk [tilespmem:v57+s2+$0x0], $0xffff  }
0xbd: {  	s16 =	sadd.s32 $0xE, s16;
	v16 =	vld.idx.msk [tilespmem:v58+s2+$0x0], $0xffff  }
0xbe: {  	v62 =	vor.u32 s16, v0;
	v18 =	vld.idx.msk [tilespmem:v60+s2+$0x0], $0xffff  }
0xbf: {  	v63 =	vld.idx.msk [tilespmem:v61+s2+$0x0], $0xffff;
	vm8 =	veq.s32 v59, v62;
	vm9 =	veq.s32 v13, v62  }
0xc0: {  	v12 =	vld.idx.msk [tilespmem:v12+s2+$0x0], $0xffff;
	vm10 =	veq.s32 v14, v62;
	vm0 =	vmor vm8, vm9  }
0xc1: {  	vm11 =	veq.s32 v15, v62;
	vm0 =	vmor vm0, vm10  }
0xc2: {  	vm12 =	veq.s32 v16, v62;
	vm0 =	vmor vm0, vm11  }
0xc3: {  	vm13 =	veq.s32 v18, v62;
	vm0 =	vmor vm0, vm12  }
0xc4: {  	vm14 =	veq.s32 v63, v62;
	vm0 =	vmor vm0, vm13  }
0xc5: {  	vm15 =	veq.s32 v12, v62;
	vm0 =	vmor vm0, vm14  }
0xc6: {  	vm0 =	vmor vm0, vm15  }
0xc7: {  	v11 =	vadd.s32 v10, v11;
	_ =	sdelay $0x4  }
0xc8: {  	[tilespmem:v11+s11+$0x0] =	vst.idx.msk vm0, v3  }
0xc9: {  	[hbm4b:s15+s2] =	stream.linear.scatter [tilespmem:s11], [sflag:$0x1], $0x8000, $0x38;
	[tilespmem:$0xC000] =	vst v63  }
0xca: {  	_ =	swait.ge [sflag:s10], $0x8000  }
0xcb: {  	[sflag:s10] =	ssyncset.done $0x0  }
0xcc: {  	[sflag:s10] =	ssyncadd.s32 $0xFFFF8000  }
0xcd: {  	v11 =	vld [tilespmem:s14+$0xFFFFFFC0];
	_ =	sdelay $0x4  }
0xce: {  	v11 =	vadd.s32 v1, v11;
	_ =	sdelay $0x4  }
0xcf: {  	[tilespmem:v11+s11+$0x0] =	vst.idx.msk $0xffff, v2  }
0xd0: {  	v11 =	vld [tilespmem:s14+$0xFFFFFFD0];
	_ =	sdelay $0x4  }
0xd1: {  	v11 =	vadd.s32 v4, v11;
	_ =	sdelay $0x4  }
0xd2: {  	[tilespmem:v11+s11+$0x0] =	vst.idx.msk $0xffff, v2  }
0xd3: {  	v11 =	vld [tilespmem:s14+$0xFFFFFFE0];
	_ =	sdelay $0x4  }
0xd4: {  	v11 =	vadd.s32 v5, v11;
	_ =	sdelay $0x4  }
0xd5: {  	[tilespmem:v11+s11+$0x0] =	vst.idx.msk $0xffff, v2  }
0xd6: {  	v11 =	vld [tilespmem:s14+$0xFFFFFFF0];
	_ =	sdelay $0x4  }
0xd7: {  	v11 =	vadd.s32 v6, v11;
	_ =	sdelay $0x4  }
0xd8: {  	[tilespmem:v11+s11+$0x0] =	vst.idx.msk $0xffff, v2  }
0xd9: {  	v11 =	vld [tilespmem:s14+$0x0];
	_ =	sdelay $0x4  }
0xda: {  	v11 =	vadd.s32 v7, v11;
	_ =	sdelay $0x4  }
0xdb: {  	[tilespmem:v11+s11+$0x0] =	vst.idx.msk $0xffff, v2  }
0xdc: {  	v11 =	vld [tilespmem:s14+$0x10];
	_ =	sdelay $0x4  }
0xdd: {  	v11 =	vadd.s32 v8, v11;
	_ =	sdelay $0x4  }
0xde: {  	[tilespmem:v11+s11+$0x0] =	vst.idx.msk $0xffff, v2  }
0xdf: {  	v11 =	vld [tilespmem:s14+$0x20];
	_ =	sdelay $0x4  }
0xe0: {  	v11 =	vadd.s32 v9, v11;
	_ =	sdelay $0x4  }
0xe1: {  	[tilespmem:v11+s11+$0x0] =	vst.idx.msk $0xffff, v2  }
0xe2: {  	v11 =	vld [tilespmem:s14+$0x30];
	_ =	sdelay $0x4  }
0xe3: {  	p0 =	sne.s32 s13, $0xF0;
	v11 =	vadd.s32 v10, v11  }
.Ltmp1:
0xe4: {  	_ = 	snop;
	(pc) =	sbr.rel @p0 .LBB2_4-.Ltmp1, $2  }
0xe5: {  	_ =	sdelay $0x2  }
0xe6: {  	s13 =	sadd.s32 $0x10, s13;
	s15 =	sadd.s32 $0x1000, s15;
	s14 =	sadd.s32 $0x80, s14;
	[tilespmem:v11+s11+$0x0] =	vst.idx.msk $0xffff, v2  }
0xe7: {  	s12 =	sadd.s32 $0x1, s12  }
0xe8: {  	p0 =	sne.s32 s12, s4  }
.Ltmp2:
0xe9: {  	_ = 	snop;
	(pc) =	sbr.rel @p0 .LBB2_1-.Ltmp2, $1  }
0xea: {  	_ =	sdelay $0x3  }
0xeb: {  	_ =	sfence.sel $0x180000  }
0xec: {  	[bflag:$0x0] =	sbarrier.arrive $0xFFFF  }
0xed: {  	p0 =	sne.s32 s1, $0x0;
	_ =	strace $0x90000047  }
0xee: {  	s0 =	sadd.s32 @!p0 $0x100000, s0;
	[bflag:$0x2] =	sbarrier.arrive $0xFFFF  }
0xef: {  	[sflag:s0] =	ssyncadd.tile.s32 @!p0 $0x1;
	_ =	shalt  }
.Lfunc_end2:
_tile_overlayer_lowered:
.L_overlay_start_2:
0xf0: {  	(tag) =	ssettag $0x2  }
0xf1: {  	s0 =	rddreg [dreg:$0x0];
	s2 =	stileid.u32  }
0xf2: {  	s1 =	rddreg [dreg:$0x1];
	p0 =	sne.s32 s2, $0x0  }
0xf3: {  	s3 =	rddreg [dreg:$0x2];
	[bflag:$0x3] =	sbarrier.arrive $0xFFFF;
	s2 =	simm.s32 @!p0 $0x1C01  }
0xf4: {  	[timem:s3], [sflag:s2] =	dma.local @!p0 [hbm:s0], s1  }
0xf5: {  	s0 =	simm.s32 @!p0 $0x1  }
0xf6: {  	_ =	swait.ge @!p0 [sflag:s0], s1  }
0xf7: {  	s1 =	ssub.s32 @!p0 $0x0, s1;
	[sflag:s0] =	ssyncset.done @!p0 $0x0  }
0xf8: {  	[sflag:s0] =	ssyncadd.s32 @!p0 s1  }
0xf9: {  	[bflag:$0x3] =	sbarrier.arrive $0xFFFF  }
0xfa: {  	_ =	shalt  }

</sc_bundles>
